<compile_context>
chip_gen: v7x
topology: tpu7x:2x2x1
jax: 0.10.2.dev20260603
libtpu: 0.0.44.dev20260713+nightly
codegen_flags: <defaults>
</compile_context>

<pallas_src>
import functools

import jax
import jax.numpy as jnp
from jax import lax
from jax.experimental import pallas as pl
from jax.experimental.pallas import tpu as pltpu
from jax.experimental.pallas import tpu_sc as plsc

B = 16384
BARS = 8
BINS = 8
ADIM = 32
NEMB = 512
ROWS = B * BARS
NTT = BINS ** 4

NC = 2
NS = 16
NW = NC * NS
RPW = ROWS // NW
CHUNK = 32
NBUF = 4
NCHUNK = RPW // CHUNK


def _tables_body(e0, e1, e2, e3, w, b, tt_ref):
    r = lax.broadcasted_iota(jnp.int32, (64, 8), 0)
    c = lax.broadcasted_iota(jnp.int32, (64, 8), 1)
    s_lo = (c == (r & 7)).astype(jnp.float32)
    s_hi = (c == (r >> 3)).astype(jnp.float32)
    wv = w[...]
    dot = functools.partial(jnp.dot, preferred_element_type=jnp.float32)
    t0 = dot(e0[...], wv[0:32])
    t1 = dot(e1[...], wv[32:64])
    t2 = dot(e2[...], wv[64:96])
    t3 = dot(e3[...], wv[96:128])
    t01 = dot(s_lo, t0) + dot(s_hi, t1)
    t23 = dot(s_lo, t2) + dot(s_hi, t3) + b[...]
    rr = lax.broadcasted_iota(jnp.int32, (NTT, 64), 0)
    cc = lax.broadcasted_iota(jnp.int32, (NTT, 64), 1)
    g_lo = (cc == (rr & 63)).astype(jnp.float32)
    g_hi = (cc == (rr >> 6)).astype(jnp.float32)
    tt_ref[...] = dot(g_lo, t01) + dot(g_hi, t23)


def _build_table(E0, E1, E2, E3, W, b2):
    return pl.pallas_call(
        _tables_body,
        out_shape=jax.ShapeDtypeStruct((NTT, NEMB), jnp.float32),
    )(E0, E1, E2, E3, W, b2)


def _idx_body(a_ref, idx_ref):
    idx_ref[...] = (a_ref[:, 0, :] + 8 * a_ref[:, 1, :]
                    + 64 * a_ref[:, 2, :] + 512 * a_ref[:, 3, :])


def _build_idx(a_t):
    return pl.pallas_call(
        _idx_body,
        out_shape=jax.ShapeDtypeStruct((BARS, B), jnp.int32),
    )(a_t)


BPW = B // (NW // BARS)


def _gather_body(tt_hbm, idxt_hbm, out_hbm, idx_v, *rest):
    bufs = rest[:NBUF]
    gsems = rest[NBUF:2 * NBUF]
    osems = rest[2 * NBUF:3 * NBUF]
    cid = lax.axis_index("c")
    sid = lax.axis_index("s")
    wid = sid * NC + cid
    bar = wid // (NW // BARS)
    bslot = wid % (NW // BARS)
    b0w = bslot * BPW

    pltpu.sync_copy(idxt_hbm.at[bar, pl.ds(b0w, BPW)], idx_v)

    def gather(g, buf, gs):
        return pltpu.make_async_copy(
            tt_hbm.at[idx_v.at[pl.ds(g * CHUNK, CHUNK)]], buf, gs)

    def writeout(g, buf, os):
        return pltpu.make_async_copy(
            buf, out_hbm.at[pl.ds(b0w + g * CHUNK, CHUNK), bar], os)

    for j in range(NBUF):
        gather(j, bufs[j], gsems[j]).start()

    def slot(g, buf, gs, os):
        gather(g, buf, gs).wait()
        writeout(g, buf, os).start()

        @pl.when(g + NBUF < NCHUNK)
        def _():
            writeout(g, buf, os).wait()
            gather(g + NBUF, buf, gs).start()

    def body(i, carry):
        for j in range(NBUF):
            slot(NBUF * i + j, bufs[j], gsems[j], osems[j])
        return carry

    lax.fori_loop(0, NCHUNK // NBUF, body, 0)

    for j in range(NBUF):
        writeout(NCHUNK - NBUF + j, bufs[j], osems[j]).wait()


@functools.partial(
    pl.kernel,
    out_type=jax.ShapeDtypeStruct((B, BARS, NEMB), jnp.float32),
    mesh=plsc.VectorSubcoreMesh(core_axis_name="c", subcore_axis_name="s"),
    scratch_types=(
        [pltpu.VMEM((BPW,), jnp.int32)]
        + [pltpu.VMEM((CHUNK, NEMB), jnp.float32)] * NBUF
        + [pltpu.SemaphoreType.DMA] * (2 * NBUF)
    ),
)
def _gather_rows(tt_hbm, idxt_hbm, out_hbm, *rest):
    _gather_body(tt_hbm, idxt_hbm, out_hbm, *rest)


@jax.jit
def kernel(attributes, E0, E1, E2, E3, W, b):
    a_t = attributes.astype(jnp.int32).transpose(1, 2, 0)
    tt = _build_table(E0, E1, E2, E3, W, b.reshape(1, NEMB))
    idxt = _build_idx(a_t)
    return _gather_rows(tt, idxt)

# --- scband reference (transcript-rebuilt; emitter-appended) ---
"""Pipeline reference for scband-attribute-conditioner-65403761983755 (READ-ONLY COPY).

The authoritative reference and input builder live on the scoring server;
editing this copy changes nothing except your own understanding.
"""

import jax, jax.numpy as jnp
import numpy as np

B = 16384
BARS = 8
BINS = 8
ADIM = 32
NEMB = 512


def setup_inputs(seed: int = 0) -> dict:
    key = jax.random.key(seed)
    ks = jax.random.split(key, 7)
    attributes = jax.random.randint(ks[0], (B, BARS, 4), 0, BINS)
    E0 = jax.random.normal(ks[1], (BINS, ADIM), dtype=jnp.float32) * 0.02
    E1 = jax.random.normal(ks[2], (BINS, ADIM), dtype=jnp.float32) * 0.02
    E2 = jax.random.normal(ks[3], (BINS, ADIM), dtype=jnp.float32) * 0.02
    E3 = jax.random.normal(ks[4], (BINS, ADIM), dtype=jnp.float32) * 0.02
    W = jax.random.normal(ks[5], (4 * ADIM, NEMB), dtype=jnp.float32) * 0.02
    b = jnp.zeros((NEMB,), dtype=jnp.float32)
    return {"attributes": attributes, "E0": E0, "E1": E1, "E2": E2, "E3": E3, "W": W, "b": b}


def reference(attributes, E0, E1, E2, E3, W, b):
    a0 = jnp.take(E0, attributes[..., 0], axis=0)
    a1 = jnp.take(E1, attributes[..., 1], axis=0)
    a2 = jnp.take(E2, attributes[..., 2], axis=0)
    a3 = jnp.take(E3, attributes[..., 3], axis=0)
    A = jnp.concatenate([a0, a1, a2, a3], axis=-1)
    return A @ W + b

if __name__ == "__main__":
    import jax
    _d = setup_inputs()
    print(jax.jit(kernel)(*tuple(_d.values())))

</pallas_src>

<mosaic_0001>
#map = affine_map<(d0, d1) -> (0, 0)>
#map1 = affine_map<(d0, d1) -> (0, 0, 0)>
module attributes {stable_mosaic.version = 14 : i64} {
  func.func @_gather_rows(%arg0: i32, %arg1: i32, %arg2: memref<4096x512xf32, #tpu.memory_space<hbm>>, %arg3: memref<8x16384xi32, #tpu.memory_space<hbm>>, %arg4: memref<16384x8x512xf32, #tpu.memory_space<hbm>>, %arg5: memref<4096xi32, #tpu.memory_space<vmem>>, %arg6: memref<32x512xf32, #tpu.memory_space<vmem>>, %arg7: memref<32x512xf32, #tpu.memory_space<vmem>>, %arg8: memref<32x512xf32, #tpu.memory_space<vmem>>, %arg9: memref<32x512xf32, #tpu.memory_space<vmem>>, %arg10: memref<!tpu.dma_semaphore, #tpu.memory_space<semaphore_mem>>, %arg11: memref<!tpu.dma_semaphore, #tpu.memory_space<semaphore_mem>>, %arg12: memref<!tpu.dma_semaphore, #tpu.memory_space<semaphore_mem>>, %arg13: memref<!tpu.dma_semaphore, #tpu.memory_space<semaphore_mem>>, %arg14: memref<!tpu.dma_semaphore, #tpu.memory_space<semaphore_mem>>, %arg15: memref<!tpu.dma_semaphore, #tpu.memory_space<semaphore_mem>>, %arg16: memref<!tpu.dma_semaphore, #tpu.memory_space<semaphore_mem>>, %arg17: memref<!tpu.dma_semaphore, #tpu.memory_space<semaphore_mem>>) attributes {dimension_semantics = [#tpu.dimension_semantics<core_parallel>, #tpu.dimension_semantics<subcore_parallel>], iteration_bounds = array<i64: 2, 16>, scalar_prefetch = 0 : i64, scratch_operands = 13 : i64, tpu.core_type = #tpu.core_type<sc_vector_subcore>, window_params = [{transform_indices = #map}, {transform_indices = #map}, {transform_indices = #map1}]} {
    %mul3A = arith.constant 2 : i32
    %mul3A_0 = arith.muli %arg1, %mul3A : i32
    %add3A = arith.addi %mul3A_0, %arg0 : i32
    %jit3A = arith.constant 4 : i32
    %div3A = arith.divsi %add3A, %jit3A : i32
    %sign3A = arith.constant 0 : i32
    %sign3A_1 = arith.cmpi sgt, %add3A, %sign3A : i32
    %sign3A_2 = arith.extui %sign3A_1 : i1 to i32
    %sign3A_3 = arith.constant 0 : i32
    %sign3A_4 = arith.cmpi slt, %add3A, %sign3A_3 : i32
    %sign3A_5 = arith.extui %sign3A_4 : i1 to i32
    %sign3A_6 = arith.subi %sign3A_2, %sign3A_5 : i32
    %sign3A_7 = arith.constant 0 : i32
    %sign3A_8 = arith.cmpi sgt, %jit3A, %sign3A_7 : i32
    %sign3A_9 = arith.extui %sign3A_8 : i1 to i32
    %sign3A_10 = arith.constant 0 : i32
    %sign3A_11 = arith.cmpi slt, %jit3A, %sign3A_10 : i32
    %sign3A_12 = arith.extui %sign3A_11 : i1 to i32
    %sign3A_13 = arith.subi %sign3A_9, %sign3A_12 : i32
    %ne3A = arith.cmpi ne, %sign3A_6, %sign3A_13 : i32
    %rem3A = arith.remsi %add3A, %jit3A : i32
    %ne3A_14 = arith.constant 0 : i32
    %ne3A_15 = arith.cmpi ne, %rem3A, %ne3A_14 : i32
    %and3A = arith.andi %ne3A, %ne3A_15 : i1
    %sub3A = arith.constant 1 : i32
    %sub3A_16 = arith.subi %div3A, %sub3A : i32
    %select_n3A = arith.select %and3A, %sub3A_16, %div3A : i32
    %jit3A_17 = arith.constant 4 : i32
    %eq3A = arith.constant 0 : i32
    %eq3A_18 = arith.cmpi eq, %jit3A_17, %eq3A : i32
    %jit3A_19 = arith.constant 1 : i32
    %select_n3A_20 = arith.select %eq3A_18, %jit3A_19, %jit3A_17 : i32
    %rem3A_21 = arith.remsi %add3A, %select_n3A_20 : i32
    %ne3A_22 = arith.constant 0 : i32
    %ne3A_23 = arith.cmpi ne, %rem3A_21, %ne3A_22 : i32
    %lt3A = arith.constant 0 : i32
    %lt3A_24 = arith.cmpi slt, %rem3A_21, %lt3A : i32
    %lt3A_25 = arith.constant 0 : i32
    %lt3A_26 = arith.cmpi slt, %select_n3A_20, %lt3A_25 : i32
    %ne3A_27 = arith.xori %lt3A_24, %lt3A_26 : i1
    %and3A_28 = arith.andi %ne3A_27, %ne3A_23 : i1
    %add3A_29 = arith.addi %rem3A_21, %select_n3A_20 : i32
    %select_n3A_30 = arith.select %and3A_28, %add3A_29, %rem3A_21 : i32
    %mul3A_31 = arith.constant 4096 : i32
    %mul3A_32 = arith.muli %select_n3A_30, %mul3A_31 : i32
    "tpu.region"() ({
      %run_scoped3A = tpu.sem_alloc : memref<!tpu.dma_semaphore, #tpu.memory_space<semaphore_mem>>
      %dma_start3A_88 = tpu.memref_slice %arg3[%select_n3A, %mul3A_32] : memref<8x16384xi32, #tpu.memory_space<hbm>> -> memref<1x4096xi32, #tpu.memory_space<hbm>>
      %dma_start3A_89 = tpu.memref_squeeze %dma_start3A_88 : memref<1x4096xi32, #tpu.memory_space<hbm>> -> memref<4096xi32, #tpu.memory_space<hbm>>
      %dma_start3A_90 = tpu.memref_slice %arg3[%select_n3A, %mul3A_32] : memref<8x16384xi32, #tpu.memory_space<hbm>> -> memref<1x4096xi32, #tpu.memory_space<hbm>>
      %dma_start3A_91 = tpu.memref_squeeze %dma_start3A_90 : memref<1x4096xi32, #tpu.memory_space<hbm>> -> memref<4096xi32, #tpu.memory_space<hbm>>
      tpu.enqueue_dma source(%dma_start3A_91 : memref<4096xi32, #tpu.memory_space<hbm>>) target(%arg5 : memref<4096xi32, #tpu.memory_space<vmem>>) target_semaphore(%run_scoped3A : memref<!tpu.dma_semaphore, #tpu.memory_space<semaphore_mem>>)
      %dma_wait3A_92 = tpu.memref_slice %arg3[%select_n3A, %mul3A_32] : memref<8x16384xi32, #tpu.memory_space<hbm>> -> memref<1x4096xi32, #tpu.memory_space<hbm>>
      %dma_wait3A_93 = tpu.memref_squeeze %dma_wait3A_92 : memref<1x4096xi32, #tpu.memory_space<hbm>> -> memref<4096xi32, #tpu.memory_space<hbm>>
      %dma_wait3A_94 = tpu.memref_slice %arg3[%select_n3A, %mul3A_32] : memref<8x16384xi32, #tpu.memory_space<hbm>> -> memref<1x4096xi32, #tpu.memory_space<hbm>>
      %dma_wait3A_95 = tpu.memref_squeeze %dma_wait3A_94 : memref<1x4096xi32, #tpu.memory_space<hbm>> -> memref<4096xi32, #tpu.memory_space<hbm>>
      tpu.wait_dma2 semaphore(%run_scoped3A : memref<!tpu.dma_semaphore, #tpu.memory_space<semaphore_mem>>) src(%dma_wait3A_95 : memref<4096xi32, #tpu.memory_space<hbm>>) dst(%arg5 : memref<4096xi32, #tpu.memory_space<vmem>>)
      tpu.yield
    }) : () -> ()
    %dma_start3A = arith.constant 0 : i32
    %dma_start3A_33 = tpu.memref_slice %arg5[%dma_start3A] : memref<4096xi32, #tpu.memory_space<vmem>> -> memref<32xi32, #tpu.memory_space<vmem>>
    %dma_start3A_34 = arith.constant 0 : i32
    %dma_start3A_35 = arith.constant 0 : i32
    %dma_start3A_36 = tpu.memref_slice %arg2[%dma_start3A_34, %dma_start3A_35] : memref<4096x512xf32, #tpu.memory_space<hbm>> -> memref<4096x512xf32, #tpu.memory_space<hbm>>
    tpu.enqueue_indirect_dma source(%dma_start3A_36 : memref<4096x512xf32, #tpu.memory_space<hbm>>) target(%arg6 : memref<32x512xf32, #tpu.memory_space<vmem>>) offsets(%dma_start3A_33 : memref<32xi32, #tpu.memory_space<vmem>>) semaphore(%arg10 : memref<!tpu.dma_semaphore, #tpu.memory_space<semaphore_mem>>)
    %dma_start3A_37 = arith.constant 32 : i32
    %dma_start3A_38 = tpu.memref_slice %arg5[%dma_start3A_37] : memref<4096xi32, #tpu.memory_space<vmem>> -> memref<32xi32, #tpu.memory_space<vmem>>
    %dma_start3A_39 = arith.constant 0 : i32
    %dma_start3A_40 = arith.constant 0 : i32
    %dma_start3A_41 = tpu.memref_slice %arg2[%dma_start3A_39, %dma_start3A_40] : memref<4096x512xf32, #tpu.memory_space<hbm>> -> memref<4096x512xf32, #tpu.memory_space<hbm>>
    tpu.enqueue_indirect_dma source(%dma_start3A_41 : memref<4096x512xf32, #tpu.memory_space<hbm>>) target(%arg7 : memref<32x512xf32, #tpu.memory_space<vmem>>) offsets(%dma_start3A_38 : memref<32xi32, #tpu.memory_space<vmem>>) semaphore(%arg11 : memref<!tpu.dma_semaphore, #tpu.memory_space<semaphore_mem>>)
    %dma_start3A_42 = arith.constant 64 : i32
    %dma_start3A_43 = tpu.memref_slice %arg5[%dma_start3A_42] : memref<4096xi32, #tpu.memory_space<vmem>> -> memref<32xi32, #tpu.memory_space<vmem>>
    %dma_start3A_44 = arith.constant 0 : i32
    %dma_start3A_45 = arith.constant 0 : i32
    %dma_start3A_46 = tpu.memref_slice %arg2[%dma_start3A_44, %dma_start3A_45] : memref<4096x512xf32, #tpu.memory_space<hbm>> -> memref<4096x512xf32, #tpu.memory_space<hbm>>
    tpu.enqueue_indirect_dma source(%dma_start3A_46 : memref<4096x512xf32, #tpu.memory_space<hbm>>) target(%arg8 : memref<32x512xf32, #tpu.memory_space<vmem>>) offsets(%dma_start3A_43 : memref<32xi32, #tpu.memory_space<vmem>>) semaphore(%arg12 : memref<!tpu.dma_semaphore, #tpu.memory_space<semaphore_mem>>)
    %dma_start3A_47 = arith.constant 96 : i32
    %dma_start3A_48 = tpu.memref_slice %arg5[%dma_start3A_47] : memref<4096xi32, #tpu.memory_space<vmem>> -> memref<32xi32, #tpu.memory_space<vmem>>
    %dma_start3A_49 = arith.constant 0 : i32
    %dma_start3A_50 = arith.constant 0 : i32
    %dma_start3A_51 = tpu.memref_slice %arg2[%dma_start3A_49, %dma_start3A_50] : memref<4096x512xf32, #tpu.memory_space<hbm>> -> memref<4096x512xf32, #tpu.memory_space<hbm>>
    tpu.enqueue_indirect_dma source(%dma_start3A_51 : memref<4096x512xf32, #tpu.memory_space<hbm>>) target(%arg9 : memref<32x512xf32, #tpu.memory_space<vmem>>) offsets(%dma_start3A_48 : memref<32xi32, #tpu.memory_space<vmem>>) semaphore(%arg13 : memref<!tpu.dma_semaphore, #tpu.memory_space<semaphore_mem>>)
    %scan3A = arith.constant 0 : i32
    %scan3A_52 = arith.constant 0 : i32
    %scan3A_53 = arith.constant 32 : i32
    %scan3A_54 = arith.addi %scan3A_52, %scan3A_53 : i32
    %scan3A_55 = arith.constant 1 : i32
    scf.for %scan3A_88 = %scan3A_52 to %scan3A_54 step %scan3A_55  : i32 {
      %mul3A_89 = arith.constant 4 : i32
      %mul3A_90 = arith.muli %mul3A_89, %scan3A_88 : i32
      %add3A_91 = arith.constant 0 : i32
      %add3A_92 = arith.addi %mul3A_90, %add3A_91 : i32
      %mul3A_93 = arith.constant 32 : i32
      %mul3A_94 = arith.muli %add3A_92, %mul3A_93 : i32
      %dma_wait3A_95 = tpu.memref_slice %arg5[%mul3A_94] : memref<4096xi32, #tpu.memory_space<vmem>> -> memref<32xi32, #tpu.memory_space<vmem>>
      %dma_wait3A_96 = arith.constant 0 : i32
      %dma_wait3A_97 = arith.constant 0 : i32
      %dma_wait3A_98 = tpu.memref_slice %arg2[%dma_wait3A_96, %dma_wait3A_97] : memref<4096x512xf32, #tpu.memory_space<hbm>> -> memref<4096x512xf32, #tpu.memory_space<hbm>>
      tpu.wait_indirect_dma semaphore(%arg10 : memref<!tpu.dma_semaphore, #tpu.memory_space<semaphore_mem>>) src(%dma_wait3A_98 : memref<4096x512xf32, #tpu.memory_space<hbm>>) dst(%arg6 : memref<32x512xf32, #tpu.memory_space<vmem>>)
      %mul3A_99 = arith.constant 32 : i32
      %mul3A_100 = arith.muli %add3A_92, %mul3A_99 : i32
      %add3A_101 = arith.addi %mul3A_32, %mul3A_100 : i32
      %dma_start3A_102 = arith.constant 0 : i32
      %dma_start3A_103 = tpu.memref_slice %arg4[%add3A_101, %select_n3A, %dma_start3A_102] : memref<16384x8x512xf32, #tpu.memory_space<hbm>> -> memref<32x1x512xf32, #tpu.memory_space<hbm>>
      %dma_start3A_104 = tpu.memref_squeeze %dma_start3A_103 : memref<32x1x512xf32, #tpu.memory_space<hbm>> -> memref<32x512xf32, #tpu.memory_space<hbm>>
      %dma_start3A_105 = arith.constant 0 : i32
      %dma_start3A_106 = tpu.memref_slice %arg4[%add3A_101, %select_n3A, %dma_start3A_105] : memref<16384x8x512xf32, #tpu.memory_space<hbm>> -> memref<32x1x512xf32, #tpu.memory_space<hbm>>
      %dma_start3A_107 = tpu.memref_squeeze %dma_start3A_106 : memref<32x1x512xf32, #tpu.memory_space<hbm>> -> memref<32x512xf32, #tpu.memory_space<hbm>>
      tpu.enqueue_dma source(%arg6 : memref<32x512xf32, #tpu.memory_space<vmem>>) target(%dma_start3A_107 : memref<32x512xf32, #tpu.memory_space<hbm>>) target_semaphore(%arg14 : memref<!tpu.dma_semaphore, #tpu.memory_space<semaphore_mem>>)
      %add3A_108 = arith.constant 4 : i32
      %add3A_109 = arith.addi %add3A_92, %add3A_108 : i32
      %lt3A_110 = arith.constant 128 : i32
      %lt3A_111 = arith.cmpi slt, %add3A_109, %lt3A_110 : i32
      %convert_element_type3A = arith.extui %lt3A_111 : i1 to i32
      %cond3A = arith.constant 0 : i32
      %cond3A_112 = arith.cmpi ne, %convert_element_type3A, %cond3A : i32
      scf.if %cond3A_112 {
        %mul3A_191 = arith.constant 32 : i32
        %mul3A_192 = arith.muli %add3A_92, %mul3A_191 : i32
        %add3A_193 = arith.addi %mul3A_32, %mul3A_192 : i32
        %dma_wait3A_194 = arith.constant 0 : i32
        %dma_wait3A_195 = tpu.memref_slice %arg4[%add3A_193, %select_n3A, %dma_wait3A_194] : memref<16384x8x512xf32, #tpu.memory_space<hbm>> -> memref<32x1x512xf32, #tpu.memory_space<hbm>>
        %dma_wait3A_196 = tpu.memref_squeeze %dma_wait3A_195 : memref<32x1x512xf32, #tpu.memory_space<hbm>> -> memref<32x512xf32, #tpu.memory_space<hbm>>
        %dma_wait3A_197 = arith.constant 0 : i32
        %dma_wait3A_198 = tpu.memref_slice %arg4[%add3A_193, %select_n3A, %dma_wait3A_197] : memref<16384x8x512xf32, #tpu.memory_space<hbm>> -> memref<32x1x512xf32, #tpu.memory_space<hbm>>
        %dma_wait3A_199 = tpu.memref_squeeze %dma_wait3A_198 : memref<32x1x512xf32, #tpu.memory_space<hbm>> -> memref<32x512xf32, #tpu.memory_space<hbm>>
        tpu.wait_dma2 semaphore(%arg14 : memref<!tpu.dma_semaphore, #tpu.memory_space<semaphore_mem>>) src(%arg6 : memref<32x512xf32, #tpu.memory_space<vmem>>) dst(%dma_wait3A_199 : memref<32x512xf32, #tpu.memory_space<hbm>>)
        %add3A_200 = arith.constant 4 : i32
        %add3A_201 = arith.addi %add3A_92, %add3A_200 : i32
        %mul3A_202 = arith.constant 32 : i32
        %mul3A_203 = arith.muli %add3A_201, %mul3A_202 : i32
        %dma_start3A_204 = tpu.memref_slice %arg5[%mul3A_203] : memref<4096xi32, #tpu.memory_space<vmem>> -> memref<32xi32, #tpu.memory_space<vmem>>
        %dma_start3A_205 = arith.constant 0 : i32
        %dma_start3A_206 = arith.constant 0 : i32
        %dma_start3A_207 = tpu.memref_slice %arg2[%dma_start3A_205, %dma_start3A_206] : memref<4096x512xf32, #tpu.memory_space<hbm>> -> memref<4096x512xf32, #tpu.memory_space<hbm>>
        tpu.enqueue_indirect_dma source(%dma_start3A_207 : memref<4096x512xf32, #tpu.memory_space<hbm>>) target(%arg6 : memref<32x512xf32, #tpu.memory_space<vmem>>) offsets(%dma_start3A_204 : memref<32xi32, #tpu.memory_space<vmem>>) semaphore(%arg10 : memref<!tpu.dma_semaphore, #tpu.memory_space<semaphore_mem>>)
      } else {
      }
      %mul3A_113 = arith.constant 4 : i32
      %mul3A_114 = arith.muli %mul3A_113, %scan3A_88 : i32
      %add3A_115 = arith.constant 1 : i32
      %add3A_116 = arith.addi %mul3A_114, %add3A_115 : i32
      %mul3A_117 = arith.constant 32 : i32
      %mul3A_118 = arith.muli %add3A_116, %mul3A_117 : i32
      %dma_wait3A_119 = tpu.memref_slice %arg5[%mul3A_118] : memref<4096xi32, #tpu.memory_space<vmem>> -> memref<32xi32, #tpu.memory_space<vmem>>
      %dma_wait3A_120 = arith.constant 0 : i32
      %dma_wait3A_121 = arith.constant 0 : i32
      %dma_wait3A_122 = tpu.memref_slice %arg2[%dma_wait3A_120, %dma_wait3A_121] : memref<4096x512xf32, #tpu.memory_space<hbm>> -> memref<4096x512xf32, #tpu.memory_space<hbm>>
      tpu.wait_indirect_dma semaphore(%arg11 : memref<!tpu.dma_semaphore, #tpu.memory_space<semaphore_mem>>) src(%dma_wait3A_122 : memref<4096x512xf32, #tpu.memory_space<hbm>>) dst(%arg7 : memref<32x512xf32, #tpu.memory_space<vmem>>)
      %mul3A_123 = arith.constant 32 : i32
      %mul3A_124 = arith.muli %add3A_116, %mul3A_123 : i32
      %add3A_125 = arith.addi %mul3A_32, %mul3A_124 : i32
      %dma_start3A_126 = arith.constant 0 : i32
      %dma_start3A_127 = tpu.memref_slice %arg4[%add3A_125, %select_n3A, %dma_start3A_126] : memref<16384x8x512xf32, #tpu.memory_space<hbm>> -> memref<32x1x512xf32, #tpu.memory_space<hbm>>
      %dma_start3A_128 = tpu.memref_squeeze %dma_start3A_127 : memref<32x1x512xf32, #tpu.memory_space<hbm>> -> memref<32x512xf32, #tpu.memory_space<hbm>>
      %dma_start3A_129 = arith.constant 0 : i32
      %dma_start3A_130 = tpu.memref_slice %arg4[%add3A_125, %select_n3A, %dma_start3A_129] : memref<16384x8x512xf32, #tpu.memory_space<hbm>> -> memref<32x1x512xf32, #tpu.memory_space<hbm>>
      %dma_start3A_131 = tpu.memref_squeeze %dma_start3A_130 : memref<32x1x512xf32, #tpu.memory_space<hbm>> -> memref<32x512xf32, #tpu.memory_space<hbm>>
      tpu.enqueue_dma source(%arg7 : memref<32x512xf32, #tpu.memory_space<vmem>>) target(%dma_start3A_131 : memref<32x512xf32, #tpu.memory_space<hbm>>) target_semaphore(%arg15 : memref<!tpu.dma_semaphore, #tpu.memory_space<semaphore_mem>>)
      %add3A_132 = arith.constant 4 : i32
      %add3A_133 = arith.addi %add3A_116, %add3A_132 : i32
      %lt3A_134 = arith.constant 128 : i32
      %lt3A_135 = arith.cmpi slt, %add3A_133, %lt3A_134 : i32
      %convert_element_type3A_136 = arith.extui %lt3A_135 : i1 to i32
      %cond3A_137 = arith.constant 0 : i32
      %cond3A_138 = arith.cmpi ne, %convert_element_type3A_136, %cond3A_137 : i32
      scf.if %cond3A_138 {
        %mul3A_191 = arith.constant 32 : i32
        %mul3A_192 = arith.muli %add3A_116, %mul3A_191 : i32
        %add3A_193 = arith.addi %mul3A_32, %mul3A_192 : i32
        %dma_wait3A_194 = arith.constant 0 : i32
        %dma_wait3A_195 = tpu.memref_slice %arg4[%add3A_193, %select_n3A, %dma_wait3A_194] : memref<16384x8x512xf32, #tpu.memory_space<hbm>> -> memref<32x1x512xf32, #tpu.memory_space<hbm>>
        %dma_wait3A_196 = tpu.memref_squeeze %dma_wait3A_195 : memref<32x1x512xf32, #tpu.memory_space<hbm>> -> memref<32x512xf32, #tpu.memory_space<hbm>>
        %dma_wait3A_197 = arith.constant 0 : i32
        %dma_wait3A_198 = tpu.memref_slice %arg4[%add3A_193, %select_n3A, %dma_wait3A_197] : memref<16384x8x512xf32, #tpu.memory_space<hbm>> -> memref<32x1x512xf32, #tpu.memory_space<hbm>>
        %dma_wait3A_199 = tpu.memref_squeeze %dma_wait3A_198 : memref<32x1x512xf32, #tpu.memory_space<hbm>> -> memref<32x512xf32, #tpu.memory_space<hbm>>
        tpu.wait_dma2 semaphore(%arg15 : memref<!tpu.dma_semaphore, #tpu.memory_space<semaphore_mem>>) src(%arg7 : memref<32x512xf32, #tpu.memory_space<vmem>>) dst(%dma_wait3A_199 : memref<32x512xf32, #tpu.memory_space<hbm>>)
        %add3A_200 = arith.constant 4 : i32
        %add3A_201 = arith.addi %add3A_116, %add3A_200 : i32
        %mul3A_202 = arith.constant 32 : i32
        %mul3A_203 = arith.muli %add3A_201, %mul3A_202 : i32
        %dma_start3A_204 = tpu.memref_slice %arg5[%mul3A_203] : memref<4096xi32, #tpu.memory_space<vmem>> -> memref<32xi32, #tpu.memory_space<vmem>>
        %dma_start3A_205 = arith.constant 0 : i32
        %dma_start3A_206 = arith.constant 0 : i32
        %dma_start3A_207 = tpu.memref_slice %arg2[%dma_start3A_205, %dma_start3A_206] : memref<4096x512xf32, #tpu.memory_space<hbm>> -> memref<4096x512xf32, #tpu.memory_space<hbm>>
        tpu.enqueue_indirect_dma source(%dma_start3A_207 : memref<4096x512xf32, #tpu.memory_space<hbm>>) target(%arg7 : memref<32x512xf32, #tpu.memory_space<vmem>>) offsets(%dma_start3A_204 : memref<32xi32, #tpu.memory_space<vmem>>) semaphore(%arg11 : memref<!tpu.dma_semaphore, #tpu.memory_space<semaphore_mem>>)
      } else {
      }
      %mul3A_139 = arith.constant 4 : i32
      %mul3A_140 = arith.muli %mul3A_139, %scan3A_88 : i32
      %add3A_141 = arith.constant 2 : i32
      %add3A_142 = arith.addi %mul3A_140, %add3A_141 : i32
      %mul3A_143 = arith.constant 32 : i32
      %mul3A_144 = arith.muli %add3A_142, %mul3A_143 : i32
      %dma_wait3A_145 = tpu.memref_slice %arg5[%mul3A_144] : memref<4096xi32, #tpu.memory_space<vmem>> -> memref<32xi32, #tpu.memory_space<vmem>>
      %dma_wait3A_146 = arith.constant 0 : i32
      %dma_wait3A_147 = arith.constant 0 : i32
      %dma_wait3A_148 = tpu.memref_slice %arg2[%dma_wait3A_146, %dma_wait3A_147] : memref<4096x512xf32, #tpu.memory_space<hbm>> -> memref<4096x512xf32, #tpu.memory_space<hbm>>
      tpu.wait_indirect_dma semaphore(%arg12 : memref<!tpu.dma_semaphore, #tpu.memory_space<semaphore_mem>>) src(%dma_wait3A_148 : memref<4096x512xf32, #tpu.memory_space<hbm>>) dst(%arg8 : memref<32x512xf32, #tpu.memory_space<vmem>>)
      %mul3A_149 = arith.constant 32 : i32
      %mul3A_150 = arith.muli %add3A_142, %mul3A_149 : i32
      %add3A_151 = arith.addi %mul3A_32, %mul3A_150 : i32
      %dma_start3A_152 = arith.constant 0 : i32
      %dma_start3A_153 = tpu.memref_slice %arg4[%add3A_151, %select_n3A, %dma_start3A_152] : memref<16384x8x512xf32, #tpu.memory_space<hbm>> -> memref<32x1x512xf32, #tpu.memory_space<hbm>>
      %dma_start3A_154 = tpu.memref_squeeze %dma_start3A_153 : memref<32x1x512xf32, #tpu.memory_space<hbm>> -> memref<32x512xf32, #tpu.memory_space<hbm>>
      %dma_start3A_155 = arith.constant 0 : i32
      %dma_start3A_156 = tpu.memref_slice %arg4[%add3A_151, %select_n3A, %dma_start3A_155] : memref<16384x8x512xf32, #tpu.memory_space<hbm>> -> memref<32x1x512xf32, #tpu.memory_space<hbm>>
      %dma_start3A_157 = tpu.memref_squeeze %dma_start3A_156 : memref<32x1x512xf32, #tpu.memory_space<hbm>> -> memref<32x512xf32, #tpu.memory_space<hbm>>
      tpu.enqueue_dma source(%arg8 : memref<32x512xf32, #tpu.memory_space<vmem>>) target(%dma_start3A_157 : memref<32x512xf32, #tpu.memory_space<hbm>>) target_semaphore(%arg16 : memref<!tpu.dma_semaphore, #tpu.memory_space<semaphore_mem>>)
      %add3A_158 = arith.constant 4 : i32
      %add3A_159 = arith.addi %add3A_142, %add3A_158 : i32
      %lt3A_160 = arith.constant 128 : i32
      %lt3A_161 = arith.cmpi slt, %add3A_159, %lt3A_160 : i32
      %convert_element_type3A_162 = arith.extui %lt3A_161 : i1 to i32
      %cond3A_163 = arith.constant 0 : i32
      %cond3A_164 = arith.cmpi ne, %convert_element_type3A_162, %cond3A_163 : i32
      scf.if %cond3A_164 {
        %mul3A_191 = arith.constant 32 : i32
        %mul3A_192 = arith.muli %add3A_142, %mul3A_191 : i32
        %add3A_193 = arith.addi %mul3A_32, %mul3A_192 : i32
        %dma_wait3A_194 = arith.constant 0 : i32
        %dma_wait3A_195 = tpu.memref_slice %arg4[%add3A_193, %select_n3A, %dma_wait3A_194] : memref<16384x8x512xf32, #tpu.memory_space<hbm>> -> memref<32x1x512xf32, #tpu.memory_space<hbm>>
        %dma_wait3A_196 = tpu.memref_squeeze %dma_wait3A_195 : memref<32x1x512xf32, #tpu.memory_space<hbm>> -> memref<32x512xf32, #tpu.memory_space<hbm>>
        %dma_wait3A_197 = arith.constant 0 : i32
        %dma_wait3A_198 = tpu.memref_slice %arg4[%add3A_193, %select_n3A, %dma_wait3A_197] : memref<16384x8x512xf32, #tpu.memory_space<hbm>> -> memref<32x1x512xf32, #tpu.memory_space<hbm>>
        %dma_wait3A_199 = tpu.memref_squeeze %dma_wait3A_198 : memref<32x1x512xf32, #tpu.memory_space<hbm>> -> memref<32x512xf32, #tpu.memory_space<hbm>>
        tpu.wait_dma2 semaphore(%arg16 : memref<!tpu.dma_semaphore, #tpu.memory_space<semaphore_mem>>) src(%arg8 : memref<32x512xf32, #tpu.memory_space<vmem>>) dst(%dma_wait3A_199 : memref<32x512xf32, #tpu.memory_space<hbm>>)
        %add3A_200 = arith.constant 4 : i32
        %add3A_201 = arith.addi %add3A_142, %add3A_200 : i32
        %mul3A_202 = arith.constant 32 : i32
        %mul3A_203 = arith.muli %add3A_201, %mul3A_202 : i32
        %dma_start3A_204 = tpu.memref_slice %arg5[%mul3A_203] : memref<4096xi32, #tpu.memory_space<vmem>> -> memref<32xi32, #tpu.memory_space<vmem>>
        %dma_start3A_205 = arith.constant 0 : i32
        %dma_start3A_206 = arith.constant 0 : i32
        %dma_start3A_207 = tpu.memref_slice %arg2[%dma_start3A_205, %dma_start3A_206] : memref<4096x512xf32, #tpu.memory_space<hbm>> -> memref<4096x512xf32, #tpu.memory_space<hbm>>
        tpu.enqueue_indirect_dma source(%dma_start3A_207 : memref<4096x512xf32, #tpu.memory_space<hbm>>) target(%arg8 : memref<32x512xf32, #tpu.memory_space<vmem>>) offsets(%dma_start3A_204 : memref<32xi32, #tpu.memory_space<vmem>>) semaphore(%arg12 : memref<!tpu.dma_semaphore, #tpu.memory_space<semaphore_mem>>)
      } else {
      }
      %mul3A_165 = arith.constant 4 : i32
      %mul3A_166 = arith.muli %mul3A_165, %scan3A_88 : i32
      %add3A_167 = arith.constant 3 : i32
      %add3A_168 = arith.addi %mul3A_166, %add3A_167 : i32
      %mul3A_169 = arith.constant 32 : i32
      %mul3A_170 = arith.muli %add3A_168, %mul3A_169 : i32
      %dma_wait3A_171 = tpu.memref_slice %arg5[%mul3A_170] : memref<4096xi32, #tpu.memory_space<vmem>> -> memref<32xi32, #tpu.memory_space<vmem>>
      %dma_wait3A_172 = arith.constant 0 : i32
      %dma_wait3A_173 = arith.constant 0 : i32
      %dma_wait3A_174 = tpu.memref_slice %arg2[%dma_wait3A_172, %dma_wait3A_173] : memref<4096x512xf32, #tpu.memory_space<hbm>> -> memref<4096x512xf32, #tpu.memory_space<hbm>>
      tpu.wait_indirect_dma semaphore(%arg13 : memref<!tpu.dma_semaphore, #tpu.memory_space<semaphore_mem>>) src(%dma_wait3A_174 : memref<4096x512xf32, #tpu.memory_space<hbm>>) dst(%arg9 : memref<32x512xf32, #tpu.memory_space<vmem>>)
      %mul3A_175 = arith.constant 32 : i32
      %mul3A_176 = arith.muli %add3A_168, %mul3A_175 : i32
      %add3A_177 = arith.addi %mul3A_32, %mul3A_176 : i32
      %dma_start3A_178 = arith.constant 0 : i32
      %dma_start3A_179 = tpu.memref_slice %arg4[%add3A_177, %select_n3A, %dma_start3A_178] : memref<16384x8x512xf32, #tpu.memory_space<hbm>> -> memref<32x1x512xf32, #tpu.memory_space<hbm>>
      %dma_start3A_180 = tpu.memref_squeeze %dma_start3A_179 : memref<32x1x512xf32, #tpu.memory_space<hbm>> -> memref<32x512xf32, #tpu.memory_space<hbm>>
      %dma_start3A_181 = arith.constant 0 : i32
      %dma_start3A_182 = tpu.memref_slice %arg4[%add3A_177, %select_n3A, %dma_start3A_181] : memref<16384x8x512xf32, #tpu.memory_space<hbm>> -> memref<32x1x512xf32, #tpu.memory_space<hbm>>
      %dma_start3A_183 = tpu.memref_squeeze %dma_start3A_182 : memref<32x1x512xf32, #tpu.memory_space<hbm>> -> memref<32x512xf32, #tpu.memory_space<hbm>>
      tpu.enqueue_dma source(%arg9 : memref<32x512xf32, #tpu.memory_space<vmem>>) target(%dma_start3A_183 : memref<32x512xf32, #tpu.memory_space<hbm>>) target_semaphore(%arg17 : memref<!tpu.dma_semaphore, #tpu.memory_space<semaphore_mem>>)
      %add3A_184 = arith.constant 4 : i32
      %add3A_185 = arith.addi %add3A_168, %add3A_184 : i32
      %lt3A_186 = arith.constant 128 : i32
      %lt3A_187 = arith.cmpi slt, %add3A_185, %lt3A_186 : i32
      %convert_element_type3A_188 = arith.extui %lt3A_187 : i1 to i32
      %cond3A_189 = arith.constant 0 : i32
      %cond3A_190 = arith.cmpi ne, %convert_element_type3A_188, %cond3A_189 : i32
      scf.if %cond3A_190 {
        %mul3A_191 = arith.constant 32 : i32
        %mul3A_192 = arith.muli %add3A_168, %mul3A_191 : i32
        %add3A_193 = arith.addi %mul3A_32, %mul3A_192 : i32
        %dma_wait3A_194 = arith.constant 0 : i32
        %dma_wait3A_195 = tpu.memref_slice %arg4[%add3A_193, %select_n3A, %dma_wait3A_194] : memref<16384x8x512xf32, #tpu.memory_space<hbm>> -> memref<32x1x512xf32, #tpu.memory_space<hbm>>
        %dma_wait3A_196 = tpu.memref_squeeze %dma_wait3A_195 : memref<32x1x512xf32, #tpu.memory_space<hbm>> -> memref<32x512xf32, #tpu.memory_space<hbm>>
        %dma_wait3A_197 = arith.constant 0 : i32
        %dma_wait3A_198 = tpu.memref_slice %arg4[%add3A_193, %select_n3A, %dma_wait3A_197] : memref<16384x8x512xf32, #tpu.memory_space<hbm>> -> memref<32x1x512xf32, #tpu.memory_space<hbm>>
        %dma_wait3A_199 = tpu.memref_squeeze %dma_wait3A_198 : memref<32x1x512xf32, #tpu.memory_space<hbm>> -> memref<32x512xf32, #tpu.memory_space<hbm>>
        tpu.wait_dma2 semaphore(%arg17 : memref<!tpu.dma_semaphore, #tpu.memory_space<semaphore_mem>>) src(%arg9 : memref<32x512xf32, #tpu.memory_space<vmem>>) dst(%dma_wait3A_199 : memref<32x512xf32, #tpu.memory_space<hbm>>)
        %add3A_200 = arith.constant 4 : i32
        %add3A_201 = arith.addi %add3A_168, %add3A_200 : i32
        %mul3A_202 = arith.constant 32 : i32
        %mul3A_203 = arith.muli %add3A_201, %mul3A_202 : i32
        %dma_start3A_204 = tpu.memref_slice %arg5[%mul3A_203] : memref<4096xi32, #tpu.memory_space<vmem>> -> memref<32xi32, #tpu.memory_space<vmem>>
        %dma_start3A_205 = arith.constant 0 : i32
        %dma_start3A_206 = arith.constant 0 : i32
        %dma_start3A_207 = tpu.memref_slice %arg2[%dma_start3A_205, %dma_start3A_206] : memref<4096x512xf32, #tpu.memory_space<hbm>> -> memref<4096x512xf32, #tpu.memory_space<hbm>>
        tpu.enqueue_indirect_dma source(%dma_start3A_207 : memref<4096x512xf32, #tpu.memory_space<hbm>>) target(%arg9 : memref<32x512xf32, #tpu.memory_space<vmem>>) offsets(%dma_start3A_204 : memref<32xi32, #tpu.memory_space<vmem>>) semaphore(%arg13 : memref<!tpu.dma_semaphore, #tpu.memory_space<semaphore_mem>>)
      } else {
      }
    }
    %scan3A_56 = arith.constant 32 : i32
    %add3A_57 = arith.constant 3968 : i32
    %add3A_58 = arith.addi %mul3A_32, %add3A_57 : i32
    %dma_wait3A = arith.constant 0 : i32
    %dma_wait3A_59 = tpu.memref_slice %arg4[%add3A_58, %select_n3A, %dma_wait3A] : memref<16384x8x512xf32, #tpu.memory_space<hbm>> -> memref<32x1x512xf32, #tpu.memory_space<hbm>>
    %dma_wait3A_60 = tpu.memref_squeeze %dma_wait3A_59 : memref<32x1x512xf32, #tpu.memory_space<hbm>> -> memref<32x512xf32, #tpu.memory_space<hbm>>
    %dma_wait3A_61 = arith.constant 0 : i32
    %dma_wait3A_62 = tpu.memref_slice %arg4[%add3A_58, %select_n3A, %dma_wait3A_61] : memref<16384x8x512xf32, #tpu.memory_space<hbm>> -> memref<32x1x512xf32, #tpu.memory_space<hbm>>
    %dma_wait3A_63 = tpu.memref_squeeze %dma_wait3A_62 : memref<32x1x512xf32, #tpu.memory_space<hbm>> -> memref<32x512xf32, #tpu.memory_space<hbm>>
    tpu.wait_dma2 semaphore(%arg14 : memref<!tpu.dma_semaphore, #tpu.memory_space<semaphore_mem>>) src(%arg6 : memref<32x512xf32, #tpu.memory_space<vmem>>) dst(%dma_wait3A_63 : memref<32x512xf32, #tpu.memory_space<hbm>>)
    %add3A_64 = arith.constant 4000 : i32
    %add3A_65 = arith.addi %mul3A_32, %add3A_64 : i32
    %dma_wait3A_66 = arith.constant 0 : i32
    %dma_wait3A_67 = tpu.memref_slice %arg4[%add3A_65, %select_n3A, %dma_wait3A_66] : memref<16384x8x512xf32, #tpu.memory_space<hbm>> -> memref<32x1x512xf32, #tpu.memory_space<hbm>>
    %dma_wait3A_68 = tpu.memref_squeeze %dma_wait3A_67 : memref<32x1x512xf32, #tpu.memory_space<hbm>> -> memref<32x512xf32, #tpu.memory_space<hbm>>
    %dma_wait3A_69 = arith.constant 0 : i32
    %dma_wait3A_70 = tpu.memref_slice %arg4[%add3A_65, %select_n3A, %dma_wait3A_69] : memref<16384x8x512xf32, #tpu.memory_space<hbm>> -> memref<32x1x512xf32, #tpu.memory_space<hbm>>
    %dma_wait3A_71 = tpu.memref_squeeze %dma_wait3A_70 : memref<32x1x512xf32, #tpu.memory_space<hbm>> -> memref<32x512xf32, #tpu.memory_space<hbm>>
    tpu.wait_dma2 semaphore(%arg15 : memref<!tpu.dma_semaphore, #tpu.memory_space<semaphore_mem>>) src(%arg7 : memref<32x512xf32, #tpu.memory_space<vmem>>) dst(%dma_wait3A_71 : memref<32x512xf32, #tpu.memory_space<hbm>>)
    %add3A_72 = arith.constant 4032 : i32
    %add3A_73 = arith.addi %mul3A_32, %add3A_72 : i32
    %dma_wait3A_74 = arith.constant 0 : i32
    %dma_wait3A_75 = tpu.memref_slice %arg4[%add3A_73, %select_n3A, %dma_wait3A_74] : memref<16384x8x512xf32, #tpu.memory_space<hbm>> -> memref<32x1x512xf32, #tpu.memory_space<hbm>>
    %dma_wait3A_76 = tpu.memref_squeeze %dma_wait3A_75 : memref<32x1x512xf32, #tpu.memory_space<hbm>> -> memref<32x512xf32, #tpu.memory_space<hbm>>
    %dma_wait3A_77 = arith.constant 0 : i32
    %dma_wait3A_78 = tpu.memref_slice %arg4[%add3A_73, %select_n3A, %dma_wait3A_77] : memref<16384x8x512xf32, #tpu.memory_space<hbm>> -> memref<32x1x512xf32, #tpu.memory_space<hbm>>
    %dma_wait3A_79 = tpu.memref_squeeze %dma_wait3A_78 : memref<32x1x512xf32, #tpu.memory_space<hbm>> -> memref<32x512xf32, #tpu.memory_space<hbm>>
    tpu.wait_dma2 semaphore(%arg16 : memref<!tpu.dma_semaphore, #tpu.memory_space<semaphore_mem>>) src(%arg8 : memref<32x512xf32, #tpu.memory_space<vmem>>) dst(%dma_wait3A_79 : memref<32x512xf32, #tpu.memory_space<hbm>>)
    %add3A_80 = arith.constant 4064 : i32
    %add3A_81 = arith.addi %mul3A_32, %add3A_80 : i32
    %dma_wait3A_82 = arith.constant 0 : i32
    %dma_wait3A_83 = tpu.memref_slice %arg4[%add3A_81, %select_n3A, %dma_wait3A_82] : memref<16384x8x512xf32, #tpu.memory_space<hbm>> -> memref<32x1x512xf32, #tpu.memory_space<hbm>>
    %dma_wait3A_84 = tpu.memref_squeeze %dma_wait3A_83 : memref<32x1x512xf32, #tpu.memory_space<hbm>> -> memref<32x512xf32, #tpu.memory_space<hbm>>
    %dma_wait3A_85 = arith.constant 0 : i32
    %dma_wait3A_86 = tpu.memref_slice %arg4[%add3A_81, %select_n3A, %dma_wait3A_85] : memref<16384x8x512xf32, #tpu.memory_space<hbm>> -> memref<32x1x512xf32, #tpu.memory_space<hbm>>
    %dma_wait3A_87 = tpu.memref_squeeze %dma_wait3A_86 : memref<32x1x512xf32, #tpu.memory_space<hbm>> -> memref<32x512xf32, #tpu.memory_space<hbm>>
    tpu.wait_dma2 semaphore(%arg17 : memref<!tpu.dma_semaphore, #tpu.memory_space<semaphore_mem>>) src(%arg9 : memref<32x512xf32, #tpu.memory_space<vmem>>) dst(%dma_wait3A_87 : memref<32x512xf32, #tpu.memory_space<hbm>>)
    return
  }
}

module attributes {stable_mosaic.version = 14 : i64} {
  func.func @_idx_body(%arg0: memref<8x4x16384xi32, #tpu.memory_space<vmem>>, %arg1: memref<8x16384xi32, #tpu.memory_space<vmem>>) attributes {dimension_semantics = [], scalar_prefetch = 0 : i64, scratch_operands = 0 : i64, tpu.core_type = #tpu.core_type<tc>} {
    %get3A = arith.constant 0 : index
    %get3A_0 = arith.constant 0 : index
    %get3A_1 = arith.constant 0 : index
    %get3A_2 = vector.load %arg0[%get3A, %get3A_0, %get3A_1] : memref<8x4x16384xi32, #tpu.memory_space<vmem>>, vector<8x1x16384xi32>
    %get3A_3 = vector.shape_cast %get3A_2 : vector<8x1x16384xi32> to vector<8x16384xi32>
    %get3A_4 = arith.constant 0 : index
    %get3A_5 = arith.constant 1 : index
    %get3A_6 = arith.constant 0 : index
    %get3A_7 = vector.load %arg0[%get3A_4, %get3A_5, %get3A_6] : memref<8x4x16384xi32, #tpu.memory_space<vmem>>, vector<8x1x16384xi32>
    %get3A_8 = vector.shape_cast %get3A_7 : vector<8x1x16384xi32> to vector<8x16384xi32>
    %mul3A = arith.constant 8 : i32
    %mul3A_9 = vector.broadcast %mul3A : i32 to vector<8x16384xi32>
    %mul3A_10 = arith.muli %mul3A_9, %get3A_8 : vector<8x16384xi32>
    %add3A = arith.addi %get3A_3, %mul3A_10 : vector<8x16384xi32>
    %get3A_11 = arith.constant 0 : index
    %get3A_12 = arith.constant 2 : index
    %get3A_13 = arith.constant 0 : index
    %get3A_14 = vector.load %arg0[%get3A_11, %get3A_12, %get3A_13] : memref<8x4x16384xi32, #tpu.memory_space<vmem>>, vector<8x1x16384xi32>
    %get3A_15 = vector.shape_cast %get3A_14 : vector<8x1x16384xi32> to vector<8x16384xi32>
    %mul3A_16 = arith.constant 64 : i32
    %mul3A_17 = vector.broadcast %mul3A_16 : i32 to vector<8x16384xi32>
    %mul3A_18 = arith.muli %mul3A_17, %get3A_15 : vector<8x16384xi32>
    %add3A_19 = arith.addi %add3A, %mul3A_18 : vector<8x16384xi32>
    %get3A_20 = arith.constant 0 : index
    %get3A_21 = arith.constant 3 : index
    %get3A_22 = arith.constant 0 : index
    %get3A_23 = vector.load %arg0[%get3A_20, %get3A_21, %get3A_22] : memref<8x4x16384xi32, #tpu.memory_space<vmem>>, vector<8x1x16384xi32>
    %get3A_24 = vector.shape_cast %get3A_23 : vector<8x1x16384xi32> to vector<8x16384xi32>
    %mul3A_25 = arith.constant 512 : i32
    %mul3A_26 = vector.broadcast %mul3A_25 : i32 to vector<8x16384xi32>
    %mul3A_27 = arith.muli %mul3A_26, %get3A_24 : vector<8x16384xi32>
    %add3A_28 = arith.addi %add3A_19, %mul3A_27 : vector<8x16384xi32>
    %swap3A = arith.constant 0 : index
    %swap3A_29 = arith.constant 0 : index
    %swap3A_30 = vector.load %arg1[%swap3A, %swap3A_29] : memref<8x16384xi32, #tpu.memory_space<vmem>>, vector<8x16384xi32>
    tpu.vector_store %arg1[%swap3A, %swap3A_29], %add3A_28 {strides = array<i32>} : memref<8x16384xi32, #tpu.memory_space<vmem>>, vector<8x16384xi32>,
    return
  }
}

module attributes {stable_mosaic.version = 14 : i64} {
  func.func @_tables_body(%arg0: memref<8x32xf32, #tpu.memory_space<vmem>>, %arg1: memref<8x32xf32, #tpu.memory_space<vmem>>, %arg2: memref<8x32xf32, #tpu.memory_space<vmem>>, %arg3: memref<8x32xf32, #tpu.memory_space<vmem>>, %arg4: memref<128x512xf32, #tpu.memory_space<vmem>>, %arg5: memref<1x512xf32, #tpu.memory_space<vmem>>, %arg6: memref<4096x512xf32, #tpu.memory_space<vmem>>) attributes {dimension_semantics = [], scalar_prefetch = 0 : i64, scratch_operands = 0 : i64, tpu.core_type = #tpu.core_type<tc>} {
    %iota3A = tpu.iota {dimensions = array<i32: 0>} : vector<64x8xi32>
    %iota3A_0 = tpu.iota {dimensions = array<i32: 1>} : vector<64x8xi32>
    %and3A = arith.constant 7 : i32
    %and3A_1 = vector.broadcast %and3A : i32 to vector<64x8xi32>
    %and3A_2 = arith.andi %iota3A, %and3A_1 : vector<64x8xi32>
    %eq3A = arith.cmpi eq, %iota3A_0, %and3A_2 : vector<64x8xi32>
    %convert_element_type3A = arith.extui %eq3A : vector<64x8xi1> to vector<64x8xi32>
    %convert_element_type3A_3 = arith.sitofp %convert_element_type3A : vector<64x8xi32> to vector<64x8xf32>
    %shift_right_arithmetic3A = arith.constant 3 : i32
    %shift_right_arithmetic3A_4 = vector.broadcast %shift_right_arithmetic3A : i32 to vector<64x8xi32>
    %shift_right_arithmetic3A_5 = arith.shrsi %iota3A, %shift_right_arithmetic3A_4 : vector<64x8xi32>
    %eq3A_6 = arith.cmpi eq, %iota3A_0, %shift_right_arithmetic3A_5 : vector<64x8xi32>
    %convert_element_type3A_7 = arith.extui %eq3A_6 : vector<64x8xi1> to vector<64x8xi32>
    %convert_element_type3A_8 = arith.sitofp %convert_element_type3A_7 : vector<64x8xi32> to vector<64x8xf32>
    %get3A = arith.constant 0 : index
    %get3A_9 = arith.constant 0 : index
    %get3A_10 = vector.load %arg4[%get3A, %get3A_9] : memref<128x512xf32, #tpu.memory_space<vmem>>, vector<128x512xf32>
    %get3A_11 = arith.constant 0 : index
    %get3A_12 = arith.constant 0 : index
    %get3A_13 = vector.load %arg0[%get3A_11, %get3A_12] : memref<8x32xf32, #tpu.memory_space<vmem>>, vector<8x32xf32>
    %slice3A = vector.extract_strided_slice %get3A_10 {offsets = [0, 0], sizes = [32, 512], strides = [1, 1]} : vector<128x512xf32> to vector<32x512xf32>
    %dot_general3A = arith.constant dense<0.000000e+00> : vector<8x512xf32>
    %dot_general3A_14 = tpu.matmul %get3A_13, %slice3A, %dot_general3A {dimension_numbers = #tpu.dot_dimension_numbers<[1], [0], [0], [1], [0, 0, 1, 1], [], []>, transpose_lhs_hint = false} : vector<8x32xf32>, vector<32x512xf32>, vector<8x512xf32> -> vector<8x512xf32>
    %get3A_15 = arith.constant 0 : index
    %get3A_16 = arith.constant 0 : index
    %get3A_17 = vector.load %arg1[%get3A_15, %get3A_16] : memref<8x32xf32, #tpu.memory_space<vmem>>, vector<8x32xf32>
    %slice3A_18 = vector.extract_strided_slice %get3A_10 {offsets = [32, 0], sizes = [32, 512], strides = [1, 1]} : vector<128x512xf32> to vector<32x512xf32>
    %dot_general3A_19 = arith.constant dense<0.000000e+00> : vector<8x512xf32>
    %dot_general3A_20 = tpu.matmul %get3A_17, %slice3A_18, %dot_general3A_19 {dimension_numbers = #tpu.dot_dimension_numbers<[1], [0], [0], [1], [0, 0, 1, 1], [], []>, transpose_lhs_hint = false} : vector<8x32xf32>, vector<32x512xf32>, vector<8x512xf32> -> vector<8x512xf32>
    %get3A_21 = arith.constant 0 : index
    %get3A_22 = arith.constant 0 : index
    %get3A_23 = vector.load %arg2[%get3A_21, %get3A_22] : memref<8x32xf32, #tpu.memory_space<vmem>>, vector<8x32xf32>
    %slice3A_24 = vector.extract_strided_slice %get3A_10 {offsets = [64, 0], sizes = [32, 512], strides = [1, 1]} : vector<128x512xf32> to vector<32x512xf32>
    %dot_general3A_25 = arith.constant dense<0.000000e+00> : vector<8x512xf32>
    %dot_general3A_26 = tpu.matmul %get3A_23, %slice3A_24, %dot_general3A_25 {dimension_numbers = #tpu.dot_dimension_numbers<[1], [0], [0], [1], [0, 0, 1, 1], [], []>, transpose_lhs_hint = false} : vector<8x32xf32>, vector<32x512xf32>, vector<8x512xf32> -> vector<8x512xf32>
    %get3A_27 = arith.constant 0 : index
    %get3A_28 = arith.constant 0 : index
    %get3A_29 = vector.load %arg3[%get3A_27, %get3A_28] : memref<8x32xf32, #tpu.memory_space<vmem>>, vector<8x32xf32>
    %slice3A_30 = vector.extract_strided_slice %get3A_10 {offsets = [96, 0], sizes = [32, 512], strides = [1, 1]} : vector<128x512xf32> to vector<32x512xf32>
    %dot_general3A_31 = arith.constant dense<0.000000e+00> : vector<8x512xf32>
    %dot_general3A_32 = tpu.matmul %get3A_29, %slice3A_30, %dot_general3A_31 {dimension_numbers = #tpu.dot_dimension_numbers<[1], [0], [0], [1], [0, 0, 1, 1], [], []>, transpose_lhs_hint = false} : vector<8x32xf32>, vector<32x512xf32>, vector<8x512xf32> -> vector<8x512xf32>
    %dot_general3A_33 = arith.constant dense<0.000000e+00> : vector<64x512xf32>
    %dot_general3A_34 = tpu.matmul %convert_element_type3A_3, %dot_general3A_14, %dot_general3A_33 {dimension_numbers = #tpu.dot_dimension_numbers<[1], [0], [0], [1], [0, 0, 1, 1], [], []>, transpose_lhs_hint = false} : vector<64x8xf32>, vector<8x512xf32>, vector<64x512xf32> -> vector<64x512xf32>
    %dot_general3A_35 = arith.constant dense<0.000000e+00> : vector<64x512xf32>
    %dot_general3A_36 = tpu.matmul %convert_element_type3A_8, %dot_general3A_20, %dot_general3A_35 {dimension_numbers = #tpu.dot_dimension_numbers<[1], [0], [0], [1], [0, 0, 1, 1], [], []>, transpose_lhs_hint = false} : vector<64x8xf32>, vector<8x512xf32>, vector<64x512xf32> -> vector<64x512xf32>
    %add3A = arith.addf %dot_general3A_34, %dot_general3A_36 : vector<64x512xf32>
    %dot_general3A_37 = arith.constant dense<0.000000e+00> : vector<64x512xf32>
    %dot_general3A_38 = tpu.matmul %convert_element_type3A_3, %dot_general3A_26, %dot_general3A_37 {dimension_numbers = #tpu.dot_dimension_numbers<[1], [0], [0], [1], [0, 0, 1, 1], [], []>, transpose_lhs_hint = false} : vector<64x8xf32>, vector<8x512xf32>, vector<64x512xf32> -> vector<64x512xf32>
    %dot_general3A_39 = arith.constant dense<0.000000e+00> : vector<64x512xf32>
    %dot_general3A_40 = tpu.matmul %convert_element_type3A_8, %dot_general3A_32, %dot_general3A_39 {dimension_numbers = #tpu.dot_dimension_numbers<[1], [0], [0], [1], [0, 0, 1, 1], [], []>, transpose_lhs_hint = false} : vector<64x8xf32>, vector<8x512xf32>, vector<64x512xf32> -> vector<64x512xf32>
    %add3A_41 = arith.addf %dot_general3A_38, %dot_general3A_40 : vector<64x512xf32>
    %get3A_42 = arith.constant 0 : index
    %get3A_43 = arith.constant 0 : index
    %get3A_44 = vector.load %arg5[%get3A_42, %get3A_43] : memref<1x512xf32, #tpu.memory_space<vmem>>, vector<1x512xf32>
    %add3A_45 = vector.broadcast %get3A_44 : vector<1x512xf32> to vector<64x512xf32>
    %add3A_46 = arith.addf %add3A_41, %add3A_45 : vector<64x512xf32>
    %iota3A_47 = tpu.iota {dimensions = array<i32: 0>} : vector<4096x64xi32>
    %iota3A_48 = tpu.iota {dimensions = array<i32: 1>} : vector<4096x64xi32>
    %and3A_49 = arith.constant 63 : i32
    %and3A_50 = vector.broadcast %and3A_49 : i32 to vector<4096x64xi32>
    %and3A_51 = arith.andi %iota3A_47, %and3A_50 : vector<4096x64xi32>
    %eq3A_52 = arith.cmpi eq, %iota3A_48, %and3A_51 : vector<4096x64xi32>
    %convert_element_type3A_53 = arith.extui %eq3A_52 : vector<4096x64xi1> to vector<4096x64xi32>
    %convert_element_type3A_54 = arith.sitofp %convert_element_type3A_53 : vector<4096x64xi32> to vector<4096x64xf32>
    %shift_right_arithmetic3A_55 = arith.constant 6 : i32
    %shift_right_arithmetic3A_56 = vector.broadcast %shift_right_arithmetic3A_55 : i32 to vector<4096x64xi32>
    %shift_right_arithmetic3A_57 = arith.shrsi %iota3A_47, %shift_right_arithmetic3A_56 : vector<4096x64xi32>
    %eq3A_58 = arith.cmpi eq, %iota3A_48, %shift_right_arithmetic3A_57 : vector<4096x64xi32>
    %convert_element_type3A_59 = arith.extui %eq3A_58 : vector<4096x64xi1> to vector<4096x64xi32>
    %convert_element_type3A_60 = arith.sitofp %convert_element_type3A_59 : vector<4096x64xi32> to vector<4096x64xf32>
    %dot_general3A_61 = arith.constant dense<0.000000e+00> : vector<4096x512xf32>
    %dot_general3A_62 = tpu.matmul %convert_element_type3A_54, %add3A, %dot_general3A_61 {dimension_numbers = #tpu.dot_dimension_numbers<[1], [0], [0], [1], [0, 0, 1, 1], [], []>, transpose_lhs_hint = false} : vector<4096x64xf32>, vector<64x512xf32>, vector<4096x512xf32> -> vector<4096x512xf32>
    %dot_general3A_63 = arith.constant dense<0.000000e+00> : vector<4096x512xf32>
    %dot_general3A_64 = tpu.matmul %convert_element_type3A_60, %add3A_46, %dot_general3A_63 {dimension_numbers = #tpu.dot_dimension_numbers<[1], [0], [0], [1], [0, 0, 1, 1], [], []>, transpose_lhs_hint = false} : vector<4096x64xf32>, vector<64x512xf32>, vector<4096x512xf32> -> vector<4096x512xf32>
    %add3A_65 = arith.addf %dot_general3A_62, %dot_general3A_64 : vector<4096x512xf32>
    %swap3A = arith.constant 0 : index
    %swap3A_66 = arith.constant 0 : index
    %swap3A_67 = vector.load %arg6[%swap3A, %swap3A_66] : memref<4096x512xf32, #tpu.memory_space<vmem>>, vector<4096x512xf32>
    tpu.vector_store %arg6[%swap3A, %swap3A_66], %add3A_65 {strides = array<i32>} : memref<4096x512xf32, #tpu.memory_space<vmem>>, vector<4096x512xf32>,
    return
  }
}

</mosaic_0001>

<sc_bundles>
// kernel: kernel.5.cloned.1.call-start
scs
__scs_entry_jumppad:
0x0: {  	(pc) =	sbr.rel $0x88, $3  }
0x1: {  	(tag) =	ssettag $0x0;
	lr =	simm.s32 $0x1  }
0x2: {  	[smem:$0x3F9A] =	sst lr;
	_ =	strace $0xD0000000  }
0x3: {  	_ = 	snop  }
0x4: {  	_ = 	snop  }
0x5: {  	_ = 	snop  }
0x6: {  	_ = 	snop  }
0x7: {  	_ = 	snop  }
__scs_overlays_trampoline_lowered:
0x8: {  	[smem:$0x3FA9] =	sst s0  }
0x9: {  	[smem:$0x3FAA] =	sst s1  }
0xa: {  	[smem:$0x3FAB] =	sst s2  }
0xb: {  	[smem:$0x3FAC] =	sst s3  }
0xc: {  	[smem:$0x3FAD] =	sst s4  }
0xd: {  	[smem:$0x3FAE] =	sst s5  }
0xe: {  	[smem:$0x3FAF] =	sst s6  }
0xf: {  	[smem:$0x3FB0] =	sst s7  }
0x10: {  	[smem:$0x3FB1] =	sst s8  }
0x11: {  	[smem:$0x3FB2] =	sst s9;
	s0 =	simm.s32 @!p0 $0x0  }
0x12: {  	s1 =	sld [smem:$0x3F98];
	s0 =	simm.s32 @p0 $0x1  }
0x13: {  	[smem:$0x3FB3] =	sst s0;
	s0 =	simm.s32 @!p1 $0x0  }
0x14: {  	s2 =	sld [smem:$0x3F97];
	s0 =	simm.s32 @p1 $0x1  }
0x15: {  	[smem:$0x3FB4] =	sst s0;
	s0 =	simm.s32 @!p2 $0x0  }
0x16: {  	s3 =	sld [smem:$0x3FDB];
	s0 =	simm.s32 @p2 $0x1  }
0x17: {  	s4 =	simm.s32 $0x1BF5;
	[smem:$0x3FB6] =	sst s0  }
0x18: {  	s0 =	sld [smem:$0x3F99];
	_ =	swait.ge [sflag:s4], $0x0  }
0x19: {  	s7 =	sld [smem:$0x3F9A]  }
0x1a: {  	s8 =	sadd.s32 $0xFFFFE003, lr  }
0x1b: {  	s9 =	sadd.s32 $0xFFFFFEF7, lr;
	s5 =	simm.s32 $0xFFFFFFFF;
	p2 =	slt.u32 s8, $0xFFFFF086  }
0x1c: {  	p1 =	slt.u32 s9, $0xF7A;
	s5 =	simm.s32 @!p2 $0x0  }
0x1d: {  	s5 =	simm.s32 @p1 $0x1;
	p0 =	seq.s32 s7, s2  }
0x1e: {  	s7 =	smul.u32 @!p0 $0xF7A, s2;
	p2 =	seq.s32 @!p0 s5, $0x0  }
0x1f: {  	s9 =	smul.u32 $0xF7A, s1;
	s8 =	simm.s32 @!p0 $0x1BF5;
	p2 =	por !p2, p0  }
0x20: {  	[sflag:s8] =	ssyncset.s32 @!p0 $0xFFFFF086;
	s6 =	sadd.s32 @!p0 s3, s7;
	s7 =	simm.s32 @!p0 $0x108  }
0x21: {  	s3 =	sadd.s32 s3, s9;
	s6 =	sadd.s32 @!p0 $0x88, s6;
	s7 =	simm.s32 @p2 $0x1082  }
0x22: {  	[simem:s7], [sflag:s8] =	dma.local @!p0 [hbm:s6], $0xF7A  }
0x23: {  	s9 =	sor.u32 $0xD0000000, s2;
	s6 =	simm.s32 $0x108;
	_ =	swait.ge @!p0 [sflag:s8], $0x0  }
0x24: {  	s3 =	sadd.s32 $0x88, s3;
	s6 =	simm.s32 @!p1 $0x1082;
	[sflag:s4] =	ssyncset.s32 $0xFFFFF086  }
0x25: {  	[simem:s6], [sflag:s4] =	dma.local [hbm:s3], $0xF7A  }
0x26: {  	[smem:$0x3F9A] =	sst s1;
	(tag) =	ssettag s2;
	_ =	strace s9  }
0x27: {  	s1 =	sld [smem:$0x3FAA]  }
0x28: {  	s2 =	sld [smem:$0x3FAB]  }
0x29: {  	s4 =	sld [smem:$0x3FAD]  }
0x2a: {  	p0 =	seq.s32 s5, $0x0;
	s5 =	sld [smem:$0x3FAE]  }
0x2b: {  	s6 =	sld [smem:$0x3FAF]  }
0x2c: {  	s7 =	sld [smem:$0x3FB0]  }
0x2d: {  	s3 =	simm.s32 $0x108;
	s8 =	sld [smem:$0x3FB1]  }
0x2e: {  	s3 =	simm.s32 @!p0 $0x1082;
	s9 =	sld [smem:$0x3FB2]  }
0x2f: {  	lr =	sadd.s32 s0, s3;
	s0 =	sld [smem:$0x3FA9]  }
0x30: {  	s3 =	sld [smem:$0x3FAC]  }
0x31: {  	[smem:$0x3FB5] =	sst s10  }
0x32: {  	s10 =	sld [smem:$0x3FB3];
	_ =	sdelay $0x3  }
0x33: {  	p0 =	seq.s32 s10, $0x1;
	s10 =	sld [smem:$0x3FB5];
	_ =	sdelay $0x3  }
0x34: {  	[smem:$0x3FB5] =	sst s10  }
0x35: {  	s10 =	sld [smem:$0x3FB4];
	_ =	sdelay $0x3  }
0x36: {  	p1 =	seq.s32 s10, $0x1;
	s10 =	sld [smem:$0x3FB5];
	_ =	sdelay $0x3  }
0x37: {  	[smem:$0x3FB5] =	sst s10  }
0x38: {  	s10 =	sld [smem:$0x3FB6]  }
0x39: {  	_ = 	snop;
	(pc) =	sbr.ind lr, $3  }
0x3a: {  	_ = 	snop  }
0x3b: {  	_ = 	snop  }
0x3c: {  	p2 =	seq.s32 s10, $0x1;
	s10 =	sld [smem:$0x3FB5]  }
0x3d: {  	_ =	shalt  }
0x3e: {  	_ =	shalt  }
0x3f: {  	_ =	shalt  }
0x40: {  	_ =	shalt  }
0x41: {  	_ =	shalt  }
0x42: {  	_ =	shalt  }
0x43: {  	_ =	shalt  }
0x44: {  	_ =	shalt  }
0x45: {  	_ =	shalt  }
0x46: {  	_ =	shalt  }
0x47: {  	_ =	shalt  }
0x48: {  	_ =	shalt  }
0x49: {  	_ =	shalt  }
0x4a: {  	_ =	shalt  }
0x4b: {  	_ =	shalt  }
0x4c: {  	_ =	shalt  }
0x4d: {  	_ =	shalt  }
0x4e: {  	_ =	shalt  }
0x4f: {  	_ =	shalt  }
0x50: {  	_ =	shalt  }
0x51: {  	_ =	shalt  }
0x52: {  	_ =	shalt  }
0x53: {  	_ =	shalt  }
0x54: {  	_ =	shalt  }
0x55: {  	_ =	shalt  }
0x56: {  	_ =	shalt  }
0x57: {  	_ =	shalt  }
0x58: {  	_ =	shalt  }
0x59: {  	_ =	shalt  }
0x5a: {  	_ =	shalt  }
0x5b: {  	_ =	shalt  }
0x5c: {  	_ =	shalt  }
0x5d: {  	_ =	shalt  }
0x5e: {  	_ =	shalt  }
0x5f: {  	_ =	shalt  }
0x60: {  	_ =	shalt  }
0x61: {  	_ =	shalt  }
0x62: {  	_ =	shalt  }
0x63: {  	_ =	shalt  }
0x64: {  	_ =	shalt  }
0x65: {  	_ =	shalt  }
0x66: {  	_ =	shalt  }
0x67: {  	_ =	shalt  }
0x68: {  	_ =	shalt  }
0x69: {  	_ =	shalt  }
0x6a: {  	_ =	shalt  }
0x6b: {  	_ =	shalt  }
0x6c: {  	_ =	shalt  }
0x6d: {  	_ =	shalt  }
0x6e: {  	_ =	shalt  }
0x6f: {  	_ =	shalt  }
0x70: {  	_ =	shalt  }
0x71: {  	_ =	shalt  }
0x72: {  	_ =	shalt  }
0x73: {  	_ =	shalt  }
0x74: {  	_ =	shalt  }
0x75: {  	_ =	shalt  }
0x76: {  	_ =	shalt  }
0x77: {  	_ =	shalt  }
0x78: {  	_ =	shalt  }
0x79: {  	_ =	shalt  }
0x7a: {  	_ =	shalt  }
0x7b: {  	_ =	shalt  }
0x7c: {  	_ =	shalt  }
0x7d: {  	_ =	shalt  }
0x7e: {  	_ =	shalt  }
0x7f: {  	_ =	shalt  }
0x80: {  	_ =	shalt  }
0x81: {  	_ =	shalt  }
0x82: {  	_ =	shalt  }
0x83: {  	_ =	shalt  }
0x84: {  	_ =	shalt  }
0x85: {  	_ =	shalt  }
0x86: {  	_ =	shalt  }
0x87: {  	_ =	shalt  }
.Lfunc_end0:
.L_simem_size_0:
called_computation_lowered:
.L_overlay_start_0:
0x88: {  	s2 =	sld [smem:$0x3FD9]  }
0x89: {  	s3 =	sld [smem:$0x3FFE];
	_ =	sdelay $0x1  }
0x8a: {  	s1 =	srdreg.scid  }
0x8b: {  	s0 =	sand.u32 $0x1, s1  }
0x8c: {  	s17 =	sshll.u32 s0, $0xA;
	s2 =	sadd.s32 s3, s2  }
0x8d: {  	s2 =	sadd.s32 s2, s17  }
0x8e: {  	[smem:$0x3FC1] =	sst s2  }
0x8f: {  	_ = 	snop  }
0x90: {  	s2 =	sld [smem:$0x3FD0];
	(tm) =	ssettm $0x1  }
0x91: {  	s18 =	sld [smem:$0x3FFB];
	_ =	sdelay $0x3  }
0x92: {  	_ =	strace s18  }
0x93: {  	s3 =	sld [smem:$0x3FFC];
	_ =	sdelay $0x3  }
0x94: {  	_ =	strace s3  }
0x95: {  	s3 =	sld [smem:$0x3FFD];
	_ =	sdelay $0x3  }
0x96: {  	_ =	strace s3  }
0x97: {  	_ =	strace $0x8FFFFFFF  }
0x98: {  	s19 =	sld [smem:$0x3FDB];
	_ =	sdelay $0x1  }
0x99: {  	s4 =	simm.s32 $_scs_section_size  }
0x9a: {  	s5 =	simm.s32 $_size__tile_overlayer_lowered;
	s6 =	simm.s32 $_tile_overlayer_lowered  }
0x9b: {  	s22 =	simm.s32 $0x1BFF;
	s21 =	sshll.u32 s6, $0x1;
	s3 =	sadd.s32 s4, s19  }
0x9c: {  	s7 =	simm.s32 $0x0;
	s20 =	sshll.u32 s5, $0x1;
	s5 =	sadd.s32 s21, s3  }
0x9d: {  	[timem:s7], [sflag:s22] =	dma.local [hbm:s5], s20  }
0x9e: {  	_ =	swait.ge [sflag:s22], s20  }
0x9f: {  	s4 =	ssub.s32 $0x0, s20;
	[sflag:s22] =	ssyncset.done $0x0  }
0xa0: {  	[sflag:s22] =	ssyncadd.s32 s4;
	_ =	sdelay $0x1  }
0xa1: {  	s23 =	simm.s32 $0x1B8B  }
0xa2: {  	_ =	swait.ge [sflag:s23], $0x1  }
0xa3: {  	[sflag:s23] =	ssyncset.done $0x0  }
0xa4: {  	s25 =	simm.s32 $0x1B8E;
	s24 =	sld [smem:$0x3FFE];
	[sflag:s23] =	ssyncadd.s32 $0xFFFFFFFF  }
0xa5: {  	s26 =	simm.s32 $execute0_lowered;
	[smem:$0x3FD2] =	sst s25  }
0xa6: {  	s5 =	sshll.u32 s26, $0x1;
	_ =	strace $0x80000046;
	[dreg:$0x1] =	wrdreg $0xFFFFFFFF  }
0xa7: {  	s28 =	simm.s32 $_size_execute0_lowered;
	s3 =	sadd.s32 s3, s5;
	[dreg:$0x0] =	wrdreg $0x0  }
0xa8: {  	s5 =	sshll.u32 s28, $0x1;
	[dreg:$0x2] =	wrdreg s3  }
0xa9: {  	[dreg:$0x3] =	wrdreg s5  }
0xaa: {  	[dreg:$0x4] =	wrdreg $0xC0  }
0xab: {  	_ =	task [dreg:s7], $0x5FFFF  }
0xac: {  	[dreg:$0x1] =	wrdreg $0xFFFFFFFF  }
0xad: {  	[dreg:$0x0] =	wrdreg $0x60  }
0xae: {  	[dreg:$0x2] =	wrdreg s24  }
0xaf: {  	[dreg:$0x3] =	wrdreg s2  }
0xb0: {  	[dreg:$0x4] =	wrdreg $0x9  }
0xb1: {  	_ =	task.clear_ibuf [dreg:s7], $0x5FFFF;
	_ =	strace $0x90000046  }
0xb2: {  	s29 =	simm.s32 $0x9;
	_ =	strace $0x80000048  }
0xb3: {  	_ =	swait.ge [sflag:s29], $0x1  }
0xb4: {  	[sflag:s29] =	ssyncadd.s32 $0xFFFFFFFF  }
0xb5: {  	_ =	strace $0x90000048  }
0xb6: {  	_ =	sfence  }
0xb7: {  	s30 =	sld [smem:$0x0];
	_ =	sdelay $0x2  }
0xb8: {  	s31 =	sshll.u32 s1, $0xD;
	s1 =	sshrl.u32 s1, $0x2  }
0xb9: {  	s3 =	sand.u32 $0x4000, s31;
	s1 =	sadd.s32 s1, s30  }
0xba: {  	s0 =	sor.u32 s3, s0;
	s1 =	sshll.u32 s1, $0x11  }
0xbb: {  	s0 =	sor.u32 s1, s0  }
0xbc: {  	s0 =	sadd.s32 $0x8F2B, s0  }
0xbd: {  	[sflag:s0] =	ssyncadd.remote.s32 $0x1  }
0xbe: {  	_ =	sfence.sel $0xFFFF  }
0xbf: {  	[dreg:$0x0] =	wrdreg $0xFFFFFFFF;
	(pc) =	sbr.abs _section_cstart, $3  }
0xc0: {  	[dreg:$0x1] =	wrdreg $0xFFFFFFFF  }
0xc1: {  	_ =	task.clear_ibuf [dreg:s7], $0x2FFFF;
	_ =	strace $0x9FFFFFFF  }
0xc2: {  	(tm) =	ssettm $0x7FFFFFFF  }
0xc3: {  	_ =	shalt  }
tec
execute0_lowered:
.L_overlay_start_1:
0x0: {  	(tag) =	ssettag $0x1  }
0x1: {  	s0 =	rddreg [dreg:$0x0]  }
0x2: {  	s1 =	rddreg [dreg:$0x1]  }
0x3: {  	s7 =	stileid.u32;
	s3 =	srdreg.scid;
	s2 =	simm.s32 $0x0  }
0x4: {  	s11 =	simm.s32 $0x80;
	s14 =	simm.s32 $0x1000;
	s16 =	simm.s32 $0xD000  }
0x5: {  	s17 =	simm.s32 $0xD800;
	s18 =	simm.s32 $0xE000;
	s31 =	simm.s32 $0x3  }
0x6: {  	s12 =	simm.s32 $0x10400;
	s28 =	simm.s32 $0x10C00;
	s13 =	simm.s32 $0x0  }
0x7: {  	s4 =	sshll.u32 s7, $0x1;
	s5 =	sand.u32 $0x1, s3;
	[smem:$0x7FF] =	sst s2  }
0x8: {  	s20 =	sshll.u32 s7, $0x6;
	s7 =	sand.u32 $0x1, s7;
	s19 =	sand.u32 $0x2, s4  }
0x9: {  	_ =	strace $0x80000047;
	s4 =	sand.u32 $0x380, s20;
	s8 =	ssub.s32 $0x2, s5  }
0xa: {  	s7 =	sshll.u32 s7, $0x19;
	s20 =	simm.s32 $0xF000;
	s3 =	sor.u32 s5, s19  }
0xb: {  	s5 =	sshll.u32 s5, $0x18;
	s9 =	sshrl.u32 s8, $0x1;
	s19 =	simm.s32 $0xE800  }
0xc: {  	s6 =	sshll.u32 s3, $0xF;
	s3 =	sadd.s32 $0x5600, s0;
	s5 =	sor.u32 s5, s7  }
0xd: {  	s21 =	ssub.s32 s8, s9;
	s6 =	sor.u32 s4, s6;
	s4 =	sor.u32 s4, s5  }
0xe: {  	s5 =	sadd.s32 $0x5700, s0;
	s24 =	smax.u32 s21, $0x1;
	s21 =	simm.s32 $0xF800  }
0xf: {  	s6 =	sshrl.u32 s6, $0x3;
	s23 =	sor.u32 $0x60000, s4;
	[dreg:$0x4] =	wrdreg s24  }
0x10: {  	s25 =	sor.u32 $0x40000, s4;
	s29 =	sor.u32 $0x20000, s4;
	s4 =	sshrl.u32 s4, $0x3  }
0x11: {  	s24 =	simm.s32 $0x1;
	s6 =	sadd.s32 s6, s0;
	s0 =	sshrl.u32 s23, $0x3  }
.Ltmp0:
0x12: {  	s26 =	sshrl.u32 s25, $0x3;
	s30 =	sshrl.u32 s29, $0x3;
	(pc) =	sbr.rel .LBB2_1-.Ltmp0, $4  }
0x13: {  	s10 =	sadd.s32 s4, s1;
	s23 =	simm.s32 $0x10800;
	s4 =	simm.s32 $0x8  }
0x14: {  	v2 =	vlaneseq.u32;
	s22 =	sadd.s32 $0x1600, s6;
	s7 =	sadd.s32 s0, s1;
	s8 =	sadd.s32 s26, s1  }
0x15: {  	vm0 =	vmmov $0xffff;
	v1 =	vshrl.u32 v2, $0x3;
	s9 =	sadd.s32 s30, s1;
	s1 =	simm.s32 $0x2;
	s6 =	simm.s32 $0x4  }
0x16: {  	v0 =	vand.u32 $0x7, v2;
	v2 =	vor.u32 $0x8, v2;
	v1 =	vmul.u32 $0x8, v1;
	s26 =	simm.s32 $0xFC00;
	[dreg:$0x3] =	wrdreg s22;
	s22 =	simm.s32 $0x10000  }
.LBB2_4:
0x17: {  	s0 =	simm.s32 $0x5  }
0x18: {  	_ =	swait.ge [sflag:s0], $0x4000  }
0x19: {  	[sflag:s0] =	ssyncset.done $0x0  }
0x1a: {  	s25 =	simm.s32 $0x6;
	[sflag:s0] =	ssyncadd.s32 $0xFFFFC000  }
0x1b: {  	_ =	swait.ge [sflag:s25], $0x4000  }
0x1c: {  	[sflag:s25] =	ssyncset.done $0x0  }
0x1d: {  	s29 =	simm.s32 $0x7;
	[sflag:s25] =	ssyncadd.s32 $0xFFFFC000  }
0x1e: {  	_ =	swait.ge [sflag:s29], $0x4000  }
0x1f: {  	[sflag:s29] =	ssyncset.done $0x0  }
0x20: {  	[sflag:s29] =	ssyncadd.s32 $0xFFFFC000  }
0x21: {  	_ =	swait.ge [sflag:s4], $0x4000  }
0x22: {  	s13 =	rddreg [dreg:$0x5]  }
0x23: {  	s30 =	rddreg [dreg:$0x4];
	s13 =	sadd.s32 $0x1, s13  }
0x24: {  	p0 =	sne.s32 s13, s30  }
.Ltmp1:
0x25: {  	_ = 	snop;
	(pc) =	sbr.rel @!p0 .LBB2_5-.Ltmp1, $3  }
0x26: {  	_ =	sdelay $0x1  }
0x27: {  	[sflag:s4] =	ssyncset.done $0x0  }
0x28: {  	[sflag:s4] =	ssyncadd.s32 $0xFFFFC000  }
.LBB2_1:
0x29: {  	[dreg:$0x5] =	wrdreg s13  }
0x2a: {  	s0 =	rddreg [dreg:$0x3];
	s25 =	simm.s32 $0x400;
	s13 =	simm.s32 $0x9  }
0x2b: {  	[tilespmem:s2], [sflag:$0x9] =	stream.strided.gather [hbm4b:s0+s11], $0x1000, s25, s11, $0x38;
	[tilespmem:$0x11000] =	vst v63  }
0x2c: {  	_ =	swait.ge [sflag:s13], $0x1000  }
0x2d: {  	[sflag:s13] =	ssyncset.done $0x0  }
0x2e: {  	[sflag:s13] =	ssyncadd.s32 $0xFFFFF000  }
0x2f: {  	v3 =	vld [tilespmem:$0x0];
	_ =	sdelay $0x4  }
0x30: {  	v4 =	vshll.u32 v3, $0x2  }
0x31: {  	v3 =	vand.u32 $0x7, v3;
	v4 =	vand.u32 $0xFFFFFFE0, v4  }
0x32: {  	v3 =	vor.u32 v3, v4  }
0x33: {  	v4 =	vperm.xlane v3, v0;
	_ =	sdelay $0x1  }
0x34: {  	v4 =	vadd.s32 v1, v4;
	_ =	sdelay $0x1  }
0x35: {  	v3 =	vperm.xlane v3, v2;
	_ =	sdelay $0x1  }
0x36: {  	v3 =	vadd.s32 v1, v3  }
0x37: {  	[tilespmem:s14], [sflag:$0x1] =	stream.indirect_vreg.gather [hbm4b:s3+s2], $0x80, v4, vm0, $0xb8;
	[tilespmem:$0x11000] =	vst v63  }
0x38: {  	s15 =	simm.s32 $0x1800  }
0x39: {  	[tilespmem:s15], [sflag:$0x1] =	stream.indirect_vreg.gather [hbm4b:s5+s2], $0x80, v4, vm0, $0xb8;
	[tilespmem:$0x11000] =	vst v63  }
0x3a: {  	s25 =	simm.s32 $0x2000  }
0x3b: {  	[tilespmem:s25], [sflag:$0x1] =	stream.indirect_vreg.gather [hbm4b:s3+s2], $0x80, v3, vm0, $0xb8;
	[tilespmem:$0x11000] =	vst v63  }
0x3c: {  	s13 =	simm.s32 $0x2800  }
0x3d: {  	[tilespmem:s13], [sflag:$0x1] =	stream.indirect_vreg.gather [hbm4b:s5+s2], $0x80, v3, vm0, $0xb8;
	[tilespmem:$0x11000] =	vst v63  }
0x3e: {  	v3 =	vld [tilespmem:$0x10];
	_ =	sdelay $0x4  }
0x3f: {  	v57 =	vshll.u32 v3, $0x2  }
0x40: {  	v3 =	vand.u32 $0x7, v3;
	v4 =	vand.u32 $0xFFFFFFE0, v57  }
0x41: {  	v3 =	vor.u32 v3, v4  }
0x42: {  	v4 =	vperm.xlane v3, v0;
	_ =	sdelay $0x1  }
0x43: {  	v4 =	vadd.s32 v1, v4;
	_ =	sdelay $0x1  }
0x44: {  	v3 =	vperm.xlane v3, v2;
	_ =	sdelay $0x1  }
0x45: {  	s15 =	simm.s32 $0x3000;
	v3 =	vadd.s32 v1, v3  }
0x46: {  	[tilespmem:s15], [sflag:$0x1] =	stream.indirect_vreg.gather [hbm4b:s3+s2], $0x80, v4, vm0, $0xb8;
	[tilespmem:$0x11000] =	vst v63  }
0x47: {  	s25 =	simm.s32 $0x3800  }
0x48: {  	[tilespmem:s25], [sflag:$0x1] =	stream.indirect_vreg.gather [hbm4b:s5+s2], $0x80, v4, vm0, $0xb8;
	[tilespmem:$0x11000] =	vst v63  }
0x49: {  	s13 =	simm.s32 $0x4000  }
0x4a: {  	[tilespmem:s13], [sflag:$0x1] =	stream.indirect_vreg.gather [hbm4b:s3+s2], $0x80, v3, vm0, $0xb8;
	[tilespmem:$0x11000] =	vst v63  }
0x4b: {  	s15 =	simm.s32 $0x4800  }
0x4c: {  	[tilespmem:s15], [sflag:$0x1] =	stream.indirect_vreg.gather [hbm4b:s5+s2], $0x80, v3, vm0, $0xb8;
	[tilespmem:$0x11000] =	vst v63  }
0x4d: {  	v3 =	vld [tilespmem:$0x20];
	_ =	sdelay $0x4  }
0x4e: {  	v58 =	vshll.u32 v3, $0x2  }
0x4f: {  	v3 =	vand.u32 $0x7, v3;
	v4 =	vand.u32 $0xFFFFFFE0, v58  }
0x50: {  	v3 =	vor.u32 v3, v4  }
0x51: {  	v4 =	vperm.xlane v3, v0;
	_ =	sdelay $0x1  }
0x52: {  	v4 =	vadd.s32 v1, v4;
	_ =	sdelay $0x1  }
0x53: {  	v3 =	vperm.xlane v3, v2;
	_ =	sdelay $0x1  }
0x54: {  	s25 =	simm.s32 $0x5000;
	v3 =	vadd.s32 v1, v3  }
0x55: {  	[tilespmem:s25], [sflag:$0x2] =	stream.indirect_vreg.gather [hbm4b:s3+s2], $0x80, v4, vm0, $0xb8;
	[tilespmem:$0x11000] =	vst v63  }
0x56: {  	s13 =	simm.s32 $0x5800  }
0x57: {  	[tilespmem:s13], [sflag:$0x2] =	stream.indirect_vreg.gather [hbm4b:s5+s2], $0x80, v4, vm0, $0xb8;
	[tilespmem:$0x11000] =	vst v63  }
0x58: {  	s15 =	simm.s32 $0x6000  }
0x59: {  	[tilespmem:s15], [sflag:$0x2] =	stream.indirect_vreg.gather [hbm4b:s3+s2], $0x80, v3, vm0, $0xb8;
	[tilespmem:$0x11000] =	vst v63  }
0x5a: {  	s25 =	simm.s32 $0x6800  }
0x5b: {  	[tilespmem:s25], [sflag:$0x2] =	stream.indirect_vreg.gather [hbm4b:s5+s2], $0x80, v3, vm0, $0xb8;
	[tilespmem:$0x11000] =	vst v63  }
0x5c: {  	v3 =	vld [tilespmem:$0x30];
	_ =	sdelay $0x4  }
0x5d: {  	v59 =	vshll.u32 v3, $0x2  }
0x5e: {  	v3 =	vand.u32 $0x7, v3;
	v4 =	vand.u32 $0xFFFFFFE0, v59  }
0x5f: {  	v3 =	vor.u32 v3, v4  }
0x60: {  	v4 =	vperm.xlane v3, v0;
	_ =	sdelay $0x1  }
0x61: {  	v4 =	vadd.s32 v1, v4;
	_ =	sdelay $0x1  }
0x62: {  	v3 =	vperm.xlane v3, v2;
	_ =	sdelay $0x1  }
0x63: {  	s13 =	simm.s32 $0x7000;
	v3 =	vadd.s32 v1, v3  }
0x64: {  	[tilespmem:s13], [sflag:$0x2] =	stream.indirect_vreg.gather [hbm4b:s3+s2], $0x80, v4, vm0, $0xb8;
	[tilespmem:$0x11000] =	vst v63  }
0x65: {  	s15 =	simm.s32 $0x7800  }
0x66: {  	[tilespmem:s15], [sflag:$0x2] =	stream.indirect_vreg.gather [hbm4b:s5+s2], $0x80, v4, vm0, $0xb8;
	[tilespmem:$0x11000] =	vst v63  }
0x67: {  	s25 =	simm.s32 $0x8000  }
0x68: {  	[tilespmem:s25], [sflag:$0x2] =	stream.indirect_vreg.gather [hbm4b:s3+s2], $0x80, v3, vm0, $0xb8;
	[tilespmem:$0x11000] =	vst v63  }
0x69: {  	s13 =	simm.s32 $0x8800  }
0x6a: {  	[tilespmem:s13], [sflag:$0x2] =	stream.indirect_vreg.gather [hbm4b:s5+s2], $0x80, v3, vm0, $0xb8;
	[tilespmem:$0x11000] =	vst v63  }
0x6b: {  	v3 =	vld [tilespmem:$0x40];
	_ =	sdelay $0x4  }
0x6c: {  	v60 =	vshll.u32 v3, $0x2  }
0x6d: {  	v3 =	vand.u32 $0x7, v3;
	v4 =	vand.u32 $0xFFFFFFE0, v60  }
0x6e: {  	v3 =	vor.u32 v3, v4  }
0x6f: {  	v4 =	vperm.xlane v3, v0;
	_ =	sdelay $0x1  }
0x70: {  	v4 =	vadd.s32 v1, v4;
	_ =	sdelay $0x1  }
0x71: {  	v3 =	vperm.xlane v3, v2;
	_ =	sdelay $0x1  }
0x72: {  	s15 =	simm.s32 $0x9000;
	v3 =	vadd.s32 v1, v3  }
0x73: {  	[tilespmem:s15], [sflag:$0x3] =	stream.indirect_vreg.gather [hbm4b:s3+s2], $0x80, v4, vm0, $0xb8;
	[tilespmem:$0x11000] =	vst v63  }
0x74: {  	s25 =	simm.s32 $0x9800  }
0x75: {  	[tilespmem:s25], [sflag:$0x3] =	stream.indirect_vreg.gather [hbm4b:s5+s2], $0x80, v4, vm0, $0xb8;
	[tilespmem:$0x11000] =	vst v63  }
0x76: {  	s13 =	simm.s32 $0xA000  }
0x77: {  	[tilespmem:s13], [sflag:$0x3] =	stream.indirect_vreg.gather [hbm4b:s3+s2], $0x80, v3, vm0, $0xb8;
	[tilespmem:$0x11000] =	vst v63  }
0x78: {  	s15 =	simm.s32 $0xA800  }
0x79: {  	[tilespmem:s15], [sflag:$0x3] =	stream.indirect_vreg.gather [hbm4b:s5+s2], $0x80, v3, vm0, $0xb8;
	[tilespmem:$0x11000] =	vst v63  }
0x7a: {  	v3 =	vld [tilespmem:$0x50];
	_ =	sdelay $0x4  }
0x7b: {  	v61 =	vshll.u32 v3, $0x2  }
0x7c: {  	v3 =	vand.u32 $0x7, v3;
	v4 =	vand.u32 $0xFFFFFFE0, v61  }
0x7d: {  	v3 =	vor.u32 v3, v4  }
0x7e: {  	v4 =	vperm.xlane v3, v0;
	_ =	sdelay $0x1  }
0x7f: {  	v4 =	vadd.s32 v1, v4;
	_ =	sdelay $0x1  }
0x80: {  	v3 =	vperm.xlane v3, v2;
	_ =	sdelay $0x1  }
0x81: {  	s25 =	simm.s32 $0xB000;
	v3 =	vadd.s32 v1, v3  }
0x82: {  	[tilespmem:s25], [sflag:$0x3] =	stream.indirect_vreg.gather [hbm4b:s3+s2], $0x80, v4, vm0, $0xb8;
	[tilespmem:$0x11000] =	vst v63  }
0x83: {  	s13 =	simm.s32 $0xB800  }
0x84: {  	[tilespmem:s13], [sflag:$0x3] =	stream.indirect_vreg.gather [hbm4b:s5+s2], $0x80, v4, vm0, $0xb8;
	[tilespmem:$0x11000] =	vst v63  }
0x85: {  	s15 =	simm.s32 $0xC000  }
0x86: {  	[tilespmem:s15], [sflag:$0x3] =	stream.indirect_vreg.gather [hbm4b:s3+s2], $0x80, v3, vm0, $0xb8;
	[tilespmem:$0x11000] =	vst v63  }
0x87: {  	s25 =	simm.s32 $0xC800  }
0x88: {  	[tilespmem:s25], [sflag:$0x3] =	stream.indirect_vreg.gather [hbm4b:s5+s2], $0x80, v3, vm0, $0xb8;
	[tilespmem:$0x11000] =	vst v63  }
0x89: {  	v3 =	vld [tilespmem:$0x60];
	_ =	sdelay $0x4  }
0x8a: {  	v62 =	vshll.u32 v3, $0x2  }
0x8b: {  	v3 =	vand.u32 $0x7, v3;
	v4 =	vand.u32 $0xFFFFFFE0, v62  }
0x8c: {  	v3 =	vor.u32 v3, v4  }
0x8d: {  	v4 =	vperm.xlane v3, v0;
	_ =	sdelay $0x1  }
0x8e: {  	v4 =	vadd.s32 v1, v4;
	_ =	sdelay $0x1  }
0x8f: {  	v3 =	vperm.xlane v3, v2;
	_ =	sdelay $0x1  }
0x90: {  	v3 =	vadd.s32 v1, v3  }
0x91: {  	[tilespmem:s16], [sflag:$0x4] =	stream.indirect_vreg.gather [hbm4b:s3+s2], $0x80, v4, vm0, $0xb8;
	[tilespmem:$0x11000] =	vst v63  }
0x92: {  	_ = 	snop  }
0x93: {  	[tilespmem:s17], [sflag:$0x4] =	stream.indirect_vreg.gather [hbm4b:s5+s2], $0x80, v4, vm0, $0xb8;
	[tilespmem:$0x11000] =	vst v63  }
0x94: {  	_ = 	snop  }
0x95: {  	[tilespmem:s18], [sflag:$0x4] =	stream.indirect_vreg.gather [hbm4b:s3+s2], $0x80, v3, vm0, $0xb8;
	[tilespmem:$0x11000] =	vst v63  }
0x96: {  	_ = 	snop  }
0x97: {  	[tilespmem:s19], [sflag:$0x4] =	stream.indirect_vreg.gather [hbm4b:s5+s2], $0x80, v3, vm0, $0xb8;
	[tilespmem:$0x11000] =	vst v63  }
0x98: {  	v3 =	vld [tilespmem:$0x70];
	_ =	sdelay $0x4  }
0x99: {  	v63 =	vshll.u32 v3, $0x2  }
0x9a: {  	v3 =	vand.u32 $0x7, v3;
	v4 =	vand.u32 $0xFFFFFFE0, v63  }
0x9b: {  	v3 =	vor.u32 v3, v4  }
0x9c: {  	v4 =	vperm.xlane v3, v0;
	_ =	sdelay $0x1  }
0x9d: {  	v4 =	vadd.s32 v1, v4;
	_ =	sdelay $0x1  }
0x9e: {  	v3 =	vperm.xlane v3, v2;
	_ =	sdelay $0x1  }
0x9f: {  	v3 =	vadd.s32 v1, v3  }
0xa0: {  	[tilespmem:s20], [sflag:$0x4] =	stream.indirect_vreg.gather [hbm4b:s3+s2], $0x80, v4, vm0, $0xb8;
	[tilespmem:$0x11000] =	vst v63  }
0xa1: {  	_ = 	snop  }
0xa2: {  	[tilespmem:s21], [sflag:$0x4] =	stream.indirect_vreg.gather [hbm4b:s5+s2], $0x80, v4, vm0, $0xb8;
	[tilespmem:$0x11000] =	vst v63  }
0xa3: {  	_ = 	snop  }
0xa4: {  	[tilespmem:s22], [sflag:$0x4] =	stream.indirect_vreg.gather [hbm4b:s3+s2], $0x80, v3, vm0, $0xb8;
	[tilespmem:$0x11000] =	vst v63  }
0xa5: {  	s29 =	simm.s32 $0xF0;
	s30 =	simm.s32 $0x0  }
0xa6: {  	[tilespmem:s23], [sflag:$0x4] =	stream.indirect_vreg.gather [hbm4b:s5+s2], $0x80, v3, vm0, $0xb8;
	[tilespmem:$0x11000] =	vst v63  }
.LBB2_2:
0xa7: {  	_ =	swait.ge [sflag:s24], $0x4000  }
0xa8: {  	[sflag:s24] =	ssyncset.done $0x0  }
0xa9: {  	s13 =	sadd.s32 s30, s10;
	[sflag:s24] =	ssyncadd.s32 $0xFFFFC000  }
0xaa: {  	[hbm4b:s13+s11] =	stream.strided.scatter [tilespmem:s14], [sflag:$0x5], $0x400, s14, s11, $0x38;
	[tilespmem:$0x11000] =	vst v63  }
0xab: {  	s0 =	simm.s32 $0x1400;
	s15 =	sadd.s32 $0x80, s13  }
0xac: {  	[hbm4b:s15+s11] =	stream.strided.scatter [tilespmem:s0], [sflag:$0x5], $0x400, s14, s11, $0x38;
	[tilespmem:$0x11000] =	vst v63  }
0xad: {  	s25 =	simm.s32 $0x1800;
	s0 =	sadd.s32 $0x100, s13  }
0xae: {  	[hbm4b:s0+s11] =	stream.strided.scatter [tilespmem:s25], [sflag:$0x5], $0x400, s14, s11, $0x38;
	[tilespmem:$0x11000] =	vst v63  }
0xaf: {  	s0 =	sadd.s32 $0x180, s13;
	s25 =	simm.s32 $0x1C00  }
0xb0: {  	[hbm4b:s0+s11] =	stream.strided.scatter [tilespmem:s25], [sflag:$0x5], $0x400, s14, s11, $0x38;
	[tilespmem:$0x11000] =	vst v63  }
0xb1: {  	s0 =	sadd.s32 $0x1000, s13;
	s25 =	simm.s32 $0x2000  }
0xb2: {  	[hbm4b:s0+s11] =	stream.strided.scatter [tilespmem:s25], [sflag:$0x5], $0x400, s14, s11, $0x38;
	[tilespmem:$0x11000] =	vst v63  }
0xb3: {  	s0 =	sadd.s32 $0x1080, s13;
	s25 =	simm.s32 $0x2400  }
0xb4: {  	[hbm4b:s0+s11] =	stream.strided.scatter [tilespmem:s25], [sflag:$0x5], $0x400, s14, s11, $0x38;
	[tilespmem:$0x11000] =	vst v63  }
0xb5: {  	s0 =	sadd.s32 $0x1100, s13;
	s25 =	simm.s32 $0x2800  }
0xb6: {  	[hbm4b:s0+s11] =	stream.strided.scatter [tilespmem:s25], [sflag:$0x5], $0x400, s14, s11, $0x38;
	[tilespmem:$0x11000] =	vst v63  }
0xb7: {  	s0 =	sadd.s32 $0x1180, s13;
	s25 =	simm.s32 $0x2C00  }
0xb8: {  	[hbm4b:s0+s11] =	stream.strided.scatter [tilespmem:s25], [sflag:$0x5], $0x400, s14, s11, $0x38;
	[tilespmem:$0x11000] =	vst v63  }
0xb9: {  	s0 =	sadd.s32 $0x2000, s13;
	s25 =	simm.s32 $0x3000  }
0xba: {  	[hbm4b:s0+s11] =	stream.strided.scatter [tilespmem:s25], [sflag:$0x5], $0x400, s14, s11, $0x38;
	[tilespmem:$0x11000] =	vst v63  }
0xbb: {  	s0 =	sadd.s32 $0x2080, s13;
	s25 =	simm.s32 $0x3400  }
0xbc: {  	[hbm4b:s0+s11] =	stream.strided.scatter [tilespmem:s25], [sflag:$0x5], $0x400, s14, s11, $0x38;
	[tilespmem:$0x11000] =	vst v63  }
0xbd: {  	s0 =	sadd.s32 $0x2100, s13;
	s25 =	simm.s32 $0x3800  }
0xbe: {  	[hbm4b:s0+s11] =	stream.strided.scatter [tilespmem:s25], [sflag:$0x5], $0x400, s14, s11, $0x38;
	[tilespmem:$0x11000] =	vst v63  }
0xbf: {  	s0 =	sadd.s32 $0x2180, s13;
	s25 =	simm.s32 $0x3C00  }
0xc0: {  	[hbm4b:s0+s11] =	stream.strided.scatter [tilespmem:s25], [sflag:$0x5], $0x400, s14, s11, $0x38;
	[tilespmem:$0x11000] =	vst v63  }
0xc1: {  	s0 =	sadd.s32 $0x3000, s13;
	s25 =	simm.s32 $0x4000  }
0xc2: {  	[hbm4b:s0+s11] =	stream.strided.scatter [tilespmem:s25], [sflag:$0x5], $0x400, s14, s11, $0x38;
	[tilespmem:$0x11000] =	vst v63  }
0xc3: {  	s0 =	sadd.s32 $0x3080, s13;
	s25 =	simm.s32 $0x4400  }
0xc4: {  	[hbm4b:s0+s11] =	stream.strided.scatter [tilespmem:s25], [sflag:$0x5], $0x400, s14, s11, $0x38;
	[tilespmem:$0x11000] =	vst v63  }
0xc5: {  	s0 =	sadd.s32 $0x3100, s13;
	s25 =	simm.s32 $0x4800  }
0xc6: {  	[hbm4b:s0+s11] =	stream.strided.scatter [tilespmem:s25], [sflag:$0x5], $0x400, s14, s11, $0x38;
	[tilespmem:$0x11000] =	vst v63  }
0xc7: {  	p0 =	seq.s32 s30, $0x1F0000;
	s15 =	simm.s32 $0x4C00;
	s13 =	sadd.s32 $0x3180, s13  }
0xc8: {  	[hbm4b:s13+s11] =	stream.strided.scatter [tilespmem:s15], [sflag:$0x5], $0x400, s14, s11, $0x38;
	[tilespmem:$0x11000] =	vst v63  }
0xc9: {  	s13 =	simm.s32 @!p0 $0x5  }
0xca: {  	_ =	swait.ge @!p0 [sflag:s13], $0x4000  }
0xcb: {  	[sflag:s13] =	ssyncset.done @!p0 $0x0  }
0xcc: {  	[sflag:s13] =	ssyncadd.s32 @!p0 $0xFFFFC000  }
0xcd: {  	v3 =	vld @!p0 [tilespmem:s29+$0xFFFFFF90];
	_ =	sdelay $0x4  }
0xce: {  	v4 =	vshll.u32 @!p0 v3, $0x2  }
0xcf: {  	v5 =	vlaneseq.u32 @!p0;
	v3 =	vand.u32 @!p0 $0x7, v3;
	v4 =	vand.u32 @!p0 $0xFFFFFFE0, v4  }
0xd0: {  	v6 =	vor.u32 @!p0 v3, v4;
	v4 =	vand.u32 @!p0 $0x7, v5;
	v3 =	vshrl.u32 @!p0 v5, $0x3  }
0xd1: {  	v7 =	vperm.xlane @!p0 v6, v4;
	v3 =	vmul.u32 @!p0 $0x8, v3;
	_ =	sdelay $0x1  }
0xd2: {  	v7 =	vadd.s32 @!p0 v3, v7  }
0xd3: {  	v5 =	vor.u32 @!p0 $0x8, v5  }
0xd4: {  	v6 =	vperm.xlane @!p0 v6, v5;
	_ =	sdelay $0x1  }
0xd5: {  	vm1 =	vmmov @!p0 $0xffff;
	s15 =	simm.s32 @!p0 $0x1000;
	s13 =	simm.s32 @!p0 $0x0;
	v6 =	vadd.s32 @!p0 v3, v6  }
0xd6: {  	[tilespmem:s15], [sflag:$0x1] =	stream.indirect_vreg.gather @!p0 [hbm4b:s3+s13], $0x80, v7, vm1, $0xb8;
	[tilespmem:$0x11000] =	vst v63  }
0xd7: {  	s15 =	simm.s32 @!p0 $0x1800  }
0xd8: {  	[tilespmem:s15], [sflag:$0x1] =	stream.indirect_vreg.gather @!p0 [hbm4b:s5+s13], $0x80, v7, vm1, $0xb8;
	[tilespmem:$0x11000] =	vst v63  }
0xd9: {  	s15 =	simm.s32 @!p0 $0x2000  }
0xda: {  	[tilespmem:s15], [sflag:$0x1] =	stream.indirect_vreg.gather @!p0 [hbm4b:s3+s13], $0x80, v6, vm1, $0xb8;
	[tilespmem:$0x11000] =	vst v63  }
0xdb: {  	s15 =	simm.s32 @!p0 $0x2800  }
0xdc: {  	[tilespmem:s15], [sflag:$0x1] =	stream.indirect_vreg.gather @!p0 [hbm4b:s5+s13], $0x80, v6, vm1, $0xb8;
	[tilespmem:$0x11000] =	vst v63  }
0xdd: {  	v6 =	vld @!p0 [tilespmem:s29+$0xFFFFFFA0];
	_ =	sdelay $0x4  }
0xde: {  	v7 =	vshll.u32 @!p0 v6, $0x2  }
0xdf: {  	v6 =	vand.u32 @!p0 $0x7, v6;
	v7 =	vand.u32 @!p0 $0xFFFFFFE0, v7  }
0xe0: {  	v6 =	vor.u32 @!p0 v6, v7  }
0xe1: {  	v7 =	vperm.xlane @!p0 v6, v4;
	_ =	sdelay $0x1  }
0xe2: {  	v7 =	vadd.s32 @!p0 v3, v7;
	_ =	sdelay $0x1  }
0xe3: {  	v6 =	vperm.xlane @!p0 v6, v5;
	_ =	sdelay $0x1  }
0xe4: {  	s15 =	simm.s32 @!p0 $0x3000;
	v6 =	vadd.s32 @!p0 v3, v6  }
0xe5: {  	[tilespmem:s15], [sflag:$0x1] =	stream.indirect_vreg.gather @!p0 [hbm4b:s3+s13], $0x80, v7, vm1, $0xb8;
	[tilespmem:$0x11000] =	vst v63  }
0xe6: {  	s15 =	simm.s32 @!p0 $0x3800  }
0xe7: {  	[tilespmem:s15], [sflag:$0x1] =	stream.indirect_vreg.gather @!p0 [hbm4b:s5+s13], $0x80, v7, vm1, $0xb8;
	[tilespmem:$0x11000] =	vst v63  }
0xe8: {  	s15 =	simm.s32 @!p0 $0x4000  }
0xe9: {  	[tilespmem:s15], [sflag:$0x1] =	stream.indirect_vreg.gather @!p0 [hbm4b:s3+s13], $0x80, v6, vm1, $0xb8;
	[tilespmem:$0x11000] =	vst v63  }
0xea: {  	s15 =	simm.s32 @!p0 $0x4800  }
0xeb: {  	[tilespmem:s15], [sflag:$0x1] =	stream.indirect_vreg.gather @!p0 [hbm4b:s5+s13], $0x80, v6, vm1, $0xb8;
	[tilespmem:$0x11000] =	vst v63  }
0xec: {  	_ =	swait.ge [sflag:s1], $0x4000  }
0xed: {  	[sflag:s1] =	ssyncset.done $0x0  }
0xee: {  	s25 =	simm.s32 $0x5000;
	s15 =	sadd.s32 s30, s9;
	[sflag:s1] =	ssyncadd.s32 $0xFFFFC000  }
0xef: {  	[hbm4b:s15+s11] =	stream.strided.scatter [tilespmem:s25], [sflag:$0x6], $0x400, s14, s11, $0x38;
	[tilespmem:$0x11000] =	vst v63  }
0xf0: {  	s0 =	sadd.s32 $0x80, s15;
	s25 =	simm.s32 $0x5400  }
0xf1: {  	[hbm4b:s0+s11] =	stream.strided.scatter [tilespmem:s25], [sflag:$0x6], $0x400, s14, s11, $0x38;
	[tilespmem:$0x11000] =	vst v63  }
0xf2: {  	s0 =	sadd.s32 $0x100, s15;
	s25 =	simm.s32 $0x5800  }
0xf3: {  	[hbm4b:s0+s11] =	stream.strided.scatter [tilespmem:s25], [sflag:$0x6], $0x400, s14, s11, $0x38;
	[tilespmem:$0x11000] =	vst v63  }
0xf4: {  	s0 =	sadd.s32 $0x180, s15;
	s25 =	simm.s32 $0x5C00  }
0xf5: {  	[hbm4b:s0+s11] =	stream.strided.scatter [tilespmem:s25], [sflag:$0x6], $0x400, s14, s11, $0x38;
	[tilespmem:$0x11000] =	vst v63  }
0xf6: {  	s0 =	sadd.s32 $0x1000, s15;
	s25 =	simm.s32 $0x6000  }
0xf7: {  	[hbm4b:s0+s11] =	stream.strided.scatter [tilespmem:s25], [sflag:$0x6], $0x400, s14, s11, $0x38;
	[tilespmem:$0x11000] =	vst v63  }
0xf8: {  	s0 =	sadd.s32 $0x1080, s15;
	s25 =	simm.s32 $0x6400  }
0xf9: {  	[hbm4b:s0+s11] =	stream.strided.scatter [tilespmem:s25], [sflag:$0x6], $0x400, s14, s11, $0x38;
	[tilespmem:$0x11000] =	vst v63  }
0xfa: {  	s0 =	sadd.s32 $0x1100, s15;
	s25 =	simm.s32 $0x6800  }
0xfb: {  	[hbm4b:s0+s11] =	stream.strided.scatter [tilespmem:s25], [sflag:$0x6], $0x400, s14, s11, $0x38;
	[tilespmem:$0x11000] =	vst v63  }
0xfc: {  	s0 =	sadd.s32 $0x1180, s15;
	s25 =	simm.s32 $0x6C00  }
0xfd: {  	[hbm4b:s0+s11] =	stream.strided.scatter [tilespmem:s25], [sflag:$0x6], $0x400, s14, s11, $0x38;
	[tilespmem:$0x11000] =	vst v63  }
0xfe: {  	s0 =	sadd.s32 $0x2000, s15;
	s25 =	simm.s32 $0x7000  }
0xff: {  	[hbm4b:s0+s11] =	stream.strided.scatter [tilespmem:s25], [sflag:$0x6], $0x400, s14, s11, $0x38;
	[tilespmem:$0x11000] =	vst v63  }
0x100: {  	s0 =	sadd.s32 $0x2080, s15;
	s25 =	simm.s32 $0x7400  }
0x101: {  	[hbm4b:s0+s11] =	stream.strided.scatter [tilespmem:s25], [sflag:$0x6], $0x400, s14, s11, $0x38;
	[tilespmem:$0x11000] =	vst v63  }
0x102: {  	s0 =	sadd.s32 $0x2100, s15;
	s25 =	simm.s32 $0x7800  }
0x103: {  	[hbm4b:s0+s11] =	stream.strided.scatter [tilespmem:s25], [sflag:$0x6], $0x400, s14, s11, $0x38;
	[tilespmem:$0x11000] =	vst v63  }
0x104: {  	s0 =	sadd.s32 $0x2180, s15;
	s25 =	simm.s32 $0x7C00  }
0x105: {  	[hbm4b:s0+s11] =	stream.strided.scatter [tilespmem:s25], [sflag:$0x6], $0x400, s14, s11, $0x38;
	[tilespmem:$0x11000] =	vst v63  }
0x106: {  	s0 =	sadd.s32 $0x3000, s15;
	s25 =	simm.s32 $0x8000  }
0x107: {  	[hbm4b:s0+s11] =	stream.strided.scatter [tilespmem:s25], [sflag:$0x6], $0x400, s14, s11, $0x38;
	[tilespmem:$0x11000] =	vst v63  }
0x108: {  	s0 =	sadd.s32 $0x3080, s15;
	s25 =	simm.s32 $0x8400  }
0x109: {  	[hbm4b:s0+s11] =	stream.strided.scatter [tilespmem:s25], [sflag:$0x6], $0x400, s14, s11, $0x38;
	[tilespmem:$0x11000] =	vst v63  }
0x10a: {  	s0 =	sadd.s32 $0x3100, s15;
	s25 =	simm.s32 $0x8800  }
0x10b: {  	[hbm4b:s0+s11] =	stream.strided.scatter [tilespmem:s25], [sflag:$0x6], $0x400, s14, s11, $0x38;
	[tilespmem:$0x11000] =	vst v63  }
0x10c: {  	s15 =	sadd.s32 $0x3180, s15;
	s25 =	simm.s32 $0x8C00;
	s0 =	simm.s32 @!p0 $0x6  }
0x10d: {  	[hbm4b:s15+s11] =	stream.strided.scatter [tilespmem:s25], [sflag:$0x6], $0x400, s14, s11, $0x38;
	[tilespmem:$0x11000] =	vst v63  }
0x10e: {  	_ =	swait.ge @!p0 [sflag:s0], $0x4000  }
0x10f: {  	[sflag:s0] =	ssyncset.done @!p0 $0x0  }
0x110: {  	[sflag:s0] =	ssyncadd.s32 @!p0 $0xFFFFC000  }
0x111: {  	v6 =	vld @!p0 [tilespmem:s29+$0xFFFFFFB0];
	_ =	sdelay $0x4  }
0x112: {  	v7 =	vshll.u32 @!p0 v6, $0x2  }
0x113: {  	v6 =	vand.u32 @!p0 $0x7, v6;
	v7 =	vand.u32 @!p0 $0xFFFFFFE0, v7  }
0x114: {  	v6 =	vor.u32 @!p0 v6, v7  }
0x115: {  	v7 =	vperm.xlane @!p0 v6, v4;
	_ =	sdelay $0x1  }
0x116: {  	v7 =	vadd.s32 @!p0 v3, v7;
	_ =	sdelay $0x1  }
0x117: {  	v6 =	vperm.xlane @!p0 v6, v5;
	_ =	sdelay $0x1  }
0x118: {  	s0 =	simm.s32 @!p0 $0x5000;
	v6 =	vadd.s32 @!p0 v3, v6  }
0x119: {  	[tilespmem:s0], [sflag:$0x2] =	stream.indirect_vreg.gather @!p0 [hbm4b:s3+s13], $0x80, v7, vm1, $0xb8;
	[tilespmem:$0x11000] =	vst v63  }
0x11a: {  	s0 =	simm.s32 @!p0 $0x5800  }
0x11b: {  	[tilespmem:s0], [sflag:$0x2] =	stream.indirect_vreg.gather @!p0 [hbm4b:s5+s13], $0x80, v7, vm1, $0xb8;
	[tilespmem:$0x11000] =	vst v63  }
0x11c: {  	s0 =	simm.s32 @!p0 $0x6000  }
0x11d: {  	[tilespmem:s0], [sflag:$0x2] =	stream.indirect_vreg.gather @!p0 [hbm4b:s3+s13], $0x80, v6, vm1, $0xb8;
	[tilespmem:$0x11000] =	vst v63  }
0x11e: {  	s0 =	simm.s32 @!p0 $0x6800  }
0x11f: {  	[tilespmem:s0], [sflag:$0x2] =	stream.indirect_vreg.gather @!p0 [hbm4b:s5+s13], $0x80, v6, vm1, $0xb8;
	[tilespmem:$0x11000] =	vst v63  }
0x120: {  	v6 =	vld @!p0 [tilespmem:s29+$0xFFFFFFC0];
	_ =	sdelay $0x4  }
0x121: {  	v7 =	vshll.u32 @!p0 v6, $0x2  }
0x122: {  	v6 =	vand.u32 @!p0 $0x7, v6;
	v7 =	vand.u32 @!p0 $0xFFFFFFE0, v7  }
0x123: {  	v6 =	vor.u32 @!p0 v6, v7  }
0x124: {  	v7 =	vperm.xlane @!p0 v6, v4;
	_ =	sdelay $0x1  }
0x125: {  	v7 =	vadd.s32 @!p0 v3, v7;
	_ =	sdelay $0x1  }
0x126: {  	v6 =	vperm.xlane @!p0 v6, v5;
	_ =	sdelay $0x1  }
0x127: {  	s0 =	simm.s32 @!p0 $0x7000;
	v6 =	vadd.s32 @!p0 v3, v6  }
0x128: {  	[tilespmem:s0], [sflag:$0x2] =	stream.indirect_vreg.gather @!p0 [hbm4b:s3+s13], $0x80, v7, vm1, $0xb8;
	[tilespmem:$0x11000] =	vst v63  }
0x129: {  	s0 =	simm.s32 @!p0 $0x7800  }
0x12a: {  	[tilespmem:s0], [sflag:$0x2] =	stream.indirect_vreg.gather @!p0 [hbm4b:s5+s13], $0x80, v7, vm1, $0xb8;
	[tilespmem:$0x11000] =	vst v63  }
0x12b: {  	s0 =	simm.s32 @!p0 $0x8000  }
0x12c: {  	[tilespmem:s0], [sflag:$0x2] =	stream.indirect_vreg.gather @!p0 [hbm4b:s3+s13], $0x80, v6, vm1, $0xb8;
	[tilespmem:$0x11000] =	vst v63  }
0x12d: {  	s0 =	simm.s32 @!p0 $0x8800  }
0x12e: {  	[tilespmem:s0], [sflag:$0x2] =	stream.indirect_vreg.gather @!p0 [hbm4b:s5+s13], $0x80, v6, vm1, $0xb8;
	[tilespmem:$0x11000] =	vst v63  }
0x12f: {  	_ =	swait.ge [sflag:s31], $0x4000  }
0x130: {  	[sflag:s31] =	ssyncset.done $0x0  }
0x131: {  	s25 =	simm.s32 $0x9000;
	s0 =	sadd.s32 s30, s8;
	[sflag:s31] =	ssyncadd.s32 $0xFFFFC000  }
0x132: {  	[hbm4b:s0+s11] =	stream.strided.scatter [tilespmem:s25], [sflag:$0x7], $0x400, s14, s11, $0x38;
	[tilespmem:$0x11000] =	vst v63  }
0x133: {  	s15 =	sadd.s32 $0x80, s0;
	s25 =	simm.s32 $0x9400  }
0x134: {  	[hbm4b:s15+s11] =	stream.strided.scatter [tilespmem:s25], [sflag:$0x7], $0x400, s14, s11, $0x38;
	[tilespmem:$0x11000] =	vst v63  }
0x135: {  	s15 =	sadd.s32 $0x100, s0;
	s25 =	simm.s32 $0x9800  }
0x136: {  	[hbm4b:s15+s11] =	stream.strided.scatter [tilespmem:s25], [sflag:$0x7], $0x400, s14, s11, $0x38;
	[tilespmem:$0x11000] =	vst v63  }
0x137: {  	s15 =	sadd.s32 $0x180, s0;
	s25 =	simm.s32 $0x9C00  }
0x138: {  	[hbm4b:s15+s11] =	stream.strided.scatter [tilespmem:s25], [sflag:$0x7], $0x400, s14, s11, $0x38;
	[tilespmem:$0x11000] =	vst v63  }
0x139: {  	s15 =	sadd.s32 $0x1000, s0;
	s25 =	simm.s32 $0xA000  }
0x13a: {  	[hbm4b:s15+s11] =	stream.strided.scatter [tilespmem:s25], [sflag:$0x7], $0x400, s14, s11, $0x38;
	[tilespmem:$0x11000] =	vst v63  }
0x13b: {  	s15 =	sadd.s32 $0x1080, s0;
	s25 =	simm.s32 $0xA400  }
0x13c: {  	[hbm4b:s15+s11] =	stream.strided.scatter [tilespmem:s25], [sflag:$0x7], $0x400, s14, s11, $0x38;
	[tilespmem:$0x11000] =	vst v63  }
0x13d: {  	s15 =	sadd.s32 $0x1100, s0;
	s25 =	simm.s32 $0xA800  }
0x13e: {  	[hbm4b:s15+s11] =	stream.strided.scatter [tilespmem:s25], [sflag:$0x7], $0x400, s14, s11, $0x38;
	[tilespmem:$0x11000] =	vst v63  }
0x13f: {  	s15 =	sadd.s32 $0x1180, s0;
	s25 =	simm.s32 $0xAC00  }
0x140: {  	[hbm4b:s15+s11] =	stream.strided.scatter [tilespmem:s25], [sflag:$0x7], $0x400, s14, s11, $0x38;
	[tilespmem:$0x11000] =	vst v63  }
0x141: {  	s15 =	sadd.s32 $0x2000, s0;
	s25 =	simm.s32 $0xB000  }
0x142: {  	[hbm4b:s15+s11] =	stream.strided.scatter [tilespmem:s25], [sflag:$0x7], $0x400, s14, s11, $0x38;
	[tilespmem:$0x11000] =	vst v63  }
0x143: {  	s15 =	sadd.s32 $0x2080, s0;
	s25 =	simm.s32 $0xB400  }
0x144: {  	[hbm4b:s15+s11] =	stream.strided.scatter [tilespmem:s25], [sflag:$0x7], $0x400, s14, s11, $0x38;
	[tilespmem:$0x11000] =	vst v63  }
0x145: {  	s15 =	sadd.s32 $0x2100, s0;
	s25 =	simm.s32 $0xB800  }
0x146: {  	[hbm4b:s15+s11] =	stream.strided.scatter [tilespmem:s25], [sflag:$0x7], $0x400, s14, s11, $0x38;
	[tilespmem:$0x11000] =	vst v63  }
0x147: {  	s15 =	sadd.s32 $0x2180, s0;
	s25 =	simm.s32 $0xBC00  }
0x148: {  	[hbm4b:s15+s11] =	stream.strided.scatter [tilespmem:s25], [sflag:$0x7], $0x400, s14, s11, $0x38;
	[tilespmem:$0x11000] =	vst v63  }
0x149: {  	s15 =	sadd.s32 $0x3000, s0;
	s25 =	simm.s32 $0xC000  }
0x14a: {  	[hbm4b:s15+s11] =	stream.strided.scatter [tilespmem:s25], [sflag:$0x7], $0x400, s14, s11, $0x38;
	[tilespmem:$0x11000] =	vst v63  }
0x14b: {  	s15 =	sadd.s32 $0x3080, s0;
	s25 =	simm.s32 $0xC400  }
0x14c: {  	[hbm4b:s15+s11] =	stream.strided.scatter [tilespmem:s25], [sflag:$0x7], $0x400, s14, s11, $0x38;
	[tilespmem:$0x11000] =	vst v63  }
0x14d: {  	s15 =	sadd.s32 $0x3100, s0;
	s25 =	simm.s32 $0xC800  }
0x14e: {  	[hbm4b:s15+s11] =	stream.strided.scatter [tilespmem:s25], [sflag:$0x7], $0x400, s14, s11, $0x38;
	[tilespmem:$0x11000] =	vst v63  }
0x14f: {  	s0 =	sadd.s32 $0x3180, s0;
	s25 =	simm.s32 $0xCC00  }
0x150: {  	[hbm4b:s0+s11] =	stream.strided.scatter [tilespmem:s25], [sflag:$0x7], $0x400, s14, s11, $0x38;
	[tilespmem:$0x11000] =	vst v63  }
0x151: {  	s0 =	simm.s32 @!p0 $0x7  }
0x152: {  	_ =	swait.ge @!p0 [sflag:s0], $0x4000  }
0x153: {  	[sflag:s0] =	ssyncset.done @!p0 $0x0  }
0x154: {  	[sflag:s0] =	ssyncadd.s32 @!p0 $0xFFFFC000  }
0x155: {  	v6 =	vld @!p0 [tilespmem:s29+$0xFFFFFFD0];
	_ =	sdelay $0x4  }
0x156: {  	v7 =	vshll.u32 @!p0 v6, $0x2  }
0x157: {  	v6 =	vand.u32 @!p0 $0x7, v6;
	v7 =	vand.u32 @!p0 $0xFFFFFFE0, v7  }
0x158: {  	v6 =	vor.u32 @!p0 v6, v7  }
0x159: {  	v7 =	vperm.xlane @!p0 v6, v4;
	_ =	sdelay $0x1  }
0x15a: {  	v7 =	vadd.s32 @!p0 v3, v7;
	_ =	sdelay $0x1  }
0x15b: {  	v6 =	vperm.xlane @!p0 v6, v5;
	_ =	sdelay $0x1  }
0x15c: {  	s0 =	simm.s32 @!p0 $0x9000;
	v6 =	vadd.s32 @!p0 v3, v6  }
0x15d: {  	[tilespmem:s0], [sflag:$0x3] =	stream.indirect_vreg.gather @!p0 [hbm4b:s3+s13], $0x80, v7, vm1, $0xb8;
	[tilespmem:$0x11000] =	vst v63  }
0x15e: {  	s0 =	simm.s32 @!p0 $0x9800  }
0x15f: {  	[tilespmem:s0], [sflag:$0x3] =	stream.indirect_vreg.gather @!p0 [hbm4b:s5+s13], $0x80, v7, vm1, $0xb8;
	[tilespmem:$0x11000] =	vst v63  }
0x160: {  	s0 =	simm.s32 @!p0 $0xA000  }
0x161: {  	[tilespmem:s0], [sflag:$0x3] =	stream.indirect_vreg.gather @!p0 [hbm4b:s3+s13], $0x80, v6, vm1, $0xb8;
	[tilespmem:$0x11000] =	vst v63  }
0x162: {  	s0 =	simm.s32 @!p0 $0xA800  }
0x163: {  	[tilespmem:s0], [sflag:$0x3] =	stream.indirect_vreg.gather @!p0 [hbm4b:s5+s13], $0x80, v6, vm1, $0xb8;
	[tilespmem:$0x11000] =	vst v63  }
0x164: {  	v6 =	vld @!p0 [tilespmem:s29+$0xFFFFFFE0];
	_ =	sdelay $0x4  }
0x165: {  	v7 =	vshll.u32 @!p0 v6, $0x2  }
0x166: {  	v6 =	vand.u32 @!p0 $0x7, v6;
	v7 =	vand.u32 @!p0 $0xFFFFFFE0, v7  }
0x167: {  	v6 =	vor.u32 @!p0 v6, v7  }
0x168: {  	v4 =	vperm.xlane @!p0 v6, v4;
	_ =	sdelay $0x1  }
0x169: {  	v4 =	vadd.s32 @!p0 v3, v4;
	_ =	sdelay $0x1  }
0x16a: {  	v5 =	vperm.xlane @!p0 v6, v5;
	_ =	sdelay $0x1  }
0x16b: {  	s0 =	simm.s32 @!p0 $0xB000;
	v3 =	vadd.s32 @!p0 v3, v5  }
0x16c: {  	[tilespmem:s0], [sflag:$0x3] =	stream.indirect_vreg.gather @!p0 [hbm4b:s3+s13], $0x80, v4, vm1, $0xb8;
	[tilespmem:$0x11000] =	vst v63  }
0x16d: {  	s0 =	simm.s32 @!p0 $0xB800  }
0x16e: {  	[tilespmem:s0], [sflag:$0x3] =	stream.indirect_vreg.gather @!p0 [hbm4b:s5+s13], $0x80, v4, vm1, $0xb8;
	[tilespmem:$0x11000] =	vst v63  }
0x16f: {  	s0 =	simm.s32 @!p0 $0xC000  }
0x170: {  	[tilespmem:s0], [sflag:$0x3] =	stream.indirect_vreg.gather @!p0 [hbm4b:s3+s13], $0x80, v3, vm1, $0xb8;
	[tilespmem:$0x11000] =	vst v63  }
0x171: {  	s0 =	simm.s32 @!p0 $0xC800  }
0x172: {  	[tilespmem:s0], [sflag:$0x3] =	stream.indirect_vreg.gather @!p0 [hbm4b:s5+s13], $0x80, v3, vm1, $0xb8;
	[tilespmem:$0x11000] =	vst v63  }
0x173: {  	_ =	swait.ge [sflag:s6], $0x4000  }
0x174: {  	[sflag:s6] =	ssyncset.done $0x0  }
0x175: {  	s0 =	sadd.s32 s30, s7;
	[sflag:s6] =	ssyncadd.s32 $0xFFFFC000  }
0x176: {  	[hbm4b:s0+s11] =	stream.strided.scatter [tilespmem:s16], [sflag:$0x8], $0x400, s14, s11, $0x38;
	[tilespmem:$0x11000] =	vst v63  }
0x177: {  	s25 =	simm.s32 $0xD400;
	s15 =	sadd.s32 $0x80, s0  }
0x178: {  	[hbm4b:s15+s11] =	stream.strided.scatter [tilespmem:s25], [sflag:$0x8], $0x400, s14, s11, $0x38;
	[tilespmem:$0x11000] =	vst v63  }
0x179: {  	s25 =	sadd.s32 $0x100, s0  }
0x17a: {  	[hbm4b:s25+s11] =	stream.strided.scatter [tilespmem:s17], [sflag:$0x8], $0x400, s14, s11, $0x38;
	[tilespmem:$0x11000] =	vst v63  }
0x17b: {  	s15 =	sadd.s32 $0x180, s0;
	s25 =	simm.s32 $0xDC00  }
0x17c: {  	[hbm4b:s15+s11] =	stream.strided.scatter [tilespmem:s25], [sflag:$0x8], $0x400, s14, s11, $0x38;
	[tilespmem:$0x11000] =	vst v63  }
0x17d: {  	s25 =	sadd.s32 $0x1000, s0  }
0x17e: {  	[hbm4b:s25+s11] =	stream.strided.scatter [tilespmem:s18], [sflag:$0x8], $0x400, s14, s11, $0x38;
	[tilespmem:$0x11000] =	vst v63  }
0x17f: {  	s15 =	sadd.s32 $0x1080, s0;
	s25 =	simm.s32 $0xE400  }
0x180: {  	[hbm4b:s15+s11] =	stream.strided.scatter [tilespmem:s25], [sflag:$0x8], $0x400, s14, s11, $0x38;
	[tilespmem:$0x11000] =	vst v63  }
0x181: {  	s25 =	sadd.s32 $0x1100, s0  }
0x182: {  	[hbm4b:s25+s11] =	stream.strided.scatter [tilespmem:s19], [sflag:$0x8], $0x400, s14, s11, $0x38;
	[tilespmem:$0x11000] =	vst v63  }
0x183: {  	s15 =	sadd.s32 $0x1180, s0;
	s25 =	simm.s32 $0xEC00  }
0x184: {  	[hbm4b:s15+s11] =	stream.strided.scatter [tilespmem:s25], [sflag:$0x8], $0x400, s14, s11, $0x38;
	[tilespmem:$0x11000] =	vst v63  }
0x185: {  	s25 =	sadd.s32 $0x2000, s0  }
0x186: {  	[hbm4b:s25+s11] =	stream.strided.scatter [tilespmem:s20], [sflag:$0x8], $0x400, s14, s11, $0x38;
	[tilespmem:$0x11000] =	vst v63  }
0x187: {  	s15 =	sadd.s32 $0x2080, s0;
	s25 =	simm.s32 $0xF400  }
0x188: {  	[hbm4b:s15+s11] =	stream.strided.scatter [tilespmem:s25], [sflag:$0x8], $0x400, s14, s11, $0x38;
	[tilespmem:$0x11000] =	vst v63  }
0x189: {  	s25 =	sadd.s32 $0x2100, s0  }
0x18a: {  	[hbm4b:s25+s11] =	stream.strided.scatter [tilespmem:s21], [sflag:$0x8], $0x400, s14, s11, $0x38;
	[tilespmem:$0x11000] =	vst v63  }
0x18b: {  	s15 =	sadd.s32 $0x2180, s0  }
0x18c: {  	[hbm4b:s15+s11] =	stream.strided.scatter [tilespmem:s26], [sflag:$0x8], $0x400, s14, s11, $0x38;
	[tilespmem:$0x11000] =	vst v63  }
0x18d: {  	s25 =	sadd.s32 $0x3000, s0  }
0x18e: {  	[hbm4b:s25+s11] =	stream.strided.scatter [tilespmem:s22], [sflag:$0x8], $0x400, s14, s11, $0x38;
	[tilespmem:$0x11000] =	vst v63  }
0x18f: {  	s15 =	sadd.s32 $0x3080, s0  }
0x190: {  	[hbm4b:s15+s11] =	stream.strided.scatter [tilespmem:s12], [sflag:$0x8], $0x400, s14, s11, $0x38;
	[tilespmem:$0x11000] =	vst v63  }
.Ltmp2:
0x191: {  	_ = 	snop;
	(pc) =	sbr.rel @p0 .LBB2_4-.Ltmp2, $4  }
0x192: {  	s25 =	sadd.s32 $0x3100, s0  }
0x193: {  	[hbm4b:s25+s11] =	stream.strided.scatter [tilespmem:s23], [sflag:$0x8], $0x400, s14, s11, $0x38;
	[tilespmem:$0x11000] =	vst v63  }
0x194: {  	s0 =	sadd.s32 $0x3180, s0  }
0x195: {  	[hbm4b:s0+s11] =	stream.strided.scatter [tilespmem:s28], [sflag:$0x8], $0x400, s14, s11, $0x38;
	[tilespmem:$0x11000] =	vst v63  }
0x196: {  	_ =	swait.ge [sflag:s4], $0x4000  }
0x197: {  	[sflag:s4] =	ssyncset.done $0x0  }
0x198: {  	[sflag:s4] =	ssyncadd.s32 $0xFFFFC000  }
0x199: {  	v3 =	vld [tilespmem:s29+$0xFFFFFFF0];
	_ =	sdelay $0x4  }
0x19a: {  	v4 =	vshll.u32 v3, $0x2  }
0x19b: {  	v3 =	vand.u32 $0x7, v3;
	v4 =	vand.u32 $0xFFFFFFE0, v4  }
0x19c: {  	v3 =	vor.u32 v3, v4  }
0x19d: {  	v4 =	vperm.xlane v3, v0;
	_ =	sdelay $0x1  }
0x19e: {  	v4 =	vadd.s32 v1, v4;
	_ =	sdelay $0x1  }
0x19f: {  	v3 =	vperm.xlane v3, v2;
	_ =	sdelay $0x1  }
0x1a0: {  	v3 =	vadd.s32 v1, v3  }
0x1a1: {  	[tilespmem:s16], [sflag:$0x4] =	stream.indirect_vreg.gather [hbm4b:s3+s2], $0x80, v4, vm0, $0xb8;
	[tilespmem:$0x11000] =	vst v63  }
0x1a2: {  	_ = 	snop  }
0x1a3: {  	[tilespmem:s17], [sflag:$0x4] =	stream.indirect_vreg.gather [hbm4b:s5+s2], $0x80, v4, vm0, $0xb8;
	[tilespmem:$0x11000] =	vst v63  }
0x1a4: {  	_ = 	snop  }
0x1a5: {  	[tilespmem:s18], [sflag:$0x4] =	stream.indirect_vreg.gather [hbm4b:s3+s2], $0x80, v3, vm0, $0xb8;
	[tilespmem:$0x11000] =	vst v63  }
0x1a6: {  	_ = 	snop  }
0x1a7: {  	[tilespmem:s19], [sflag:$0x4] =	stream.indirect_vreg.gather [hbm4b:s5+s2], $0x80, v3, vm0, $0xb8;
	[tilespmem:$0x11000] =	vst v63  }
0x1a8: {  	v3 =	vld [tilespmem:s29+$0x0];
	_ =	sdelay $0x4  }
0x1a9: {  	v63 =	vshll.u32 v3, $0x2  }
0x1aa: {  	v3 =	vand.u32 $0x7, v3;
	v4 =	vand.u32 $0xFFFFFFE0, v63  }
0x1ab: {  	v3 =	vor.u32 v3, v4  }
0x1ac: {  	v4 =	vperm.xlane v3, v0;
	_ =	sdelay $0x1  }
0x1ad: {  	v4 =	vadd.s32 v1, v4;
	_ =	sdelay $0x2  }
0x1ae: {  	v3 =	vperm.xlane v3, v2;
	_ =	sdelay $0x1  }
0x1af: {  	v3 =	vadd.s32 v1, v3;
	[tilespmem:s20], [sflag:$0x4] =	stream.indirect_vreg.gather [hbm4b:s3+s2], $0x80, v4, vm0, $0xb8;
	[tilespmem:$0x11000] =	vst v63  }
0x1b0: {  	_ = 	snop  }
0x1b1: {  	[tilespmem:s21], [sflag:$0x4] =	stream.indirect_vreg.gather [hbm4b:s5+s2], $0x80, v4, vm0, $0xb8;
	[tilespmem:$0x11000] =	vst v63  }
.Ltmp3:
0x1b2: {  	_ = 	snop;
	(pc) =	sbr.rel .LBB2_2-.Ltmp3, $4  }
0x1b3: {  	_ = 	snop  }
0x1b4: {  	[tilespmem:s22], [sflag:$0x4] =	stream.indirect_vreg.gather [hbm4b:s3+s2], $0x80, v3, vm0, $0xb8;
	[tilespmem:$0x11000] =	vst v63  }
0x1b5: {  	s30 =	sadd.s32 $0x10000, s30;
	s29 =	sadd.s32 $0x80, s29  }
0x1b6: {  	[tilespmem:s23], [sflag:$0x4] =	stream.indirect_vreg.gather [hbm4b:s5+s2], $0x80, v3, vm0, $0xb8;
	[tilespmem:$0x11000] =	vst v63  }
.LBB2_5:
0x1b7: {  	_ =	sfence.sel $0x180000  }
0x1b8: {  	[bflag:$0x0] =	sbarrier.arrive $0xFFFF  }
0x1b9: {  	_ =	strace $0x90000047  }
0x1ba: {  	s0 =	stileid.u32;
	[bflag:$0x2] =	sbarrier.arrive $0xFFFF  }
0x1bb: {  	p0 =	sne.s32 s0, $0x0;
	s0 =	rddreg [dreg:$0x2]  }
0x1bc: {  	s0 =	sadd.s32 @!p0 $0x100000, s0  }
0x1bd: {  	[sflag:s0] =	ssyncadd.tile.s32 @!p0 $0x1;
	_ =	shalt  }
.Lfunc_end2:
_tile_overlayer_lowered:
.L_overlay_start_2:
0x1be: {  	(tag) =	ssettag $0x2  }
0x1bf: {  	s0 =	rddreg [dreg:$0x0];
	s2 =	stileid.u32  }
0x1c0: {  	s1 =	rddreg [dreg:$0x1];
	p0 =	sne.s32 s2, $0x0  }
0x1c1: {  	s3 =	rddreg [dreg:$0x2];
	[bflag:$0x3] =	sbarrier.arrive $0xFFFF;
	s2 =	simm.s32 @!p0 $0x1C09  }
0x1c2: {  	[timem:s3], [sflag:s2] =	dma.local @!p0 [hbm:s0], s1  }
0x1c3: {  	s0 =	simm.s32 @!p0 $0x9  }
0x1c4: {  	_ =	swait.ge @!p0 [sflag:s0], s1  }
0x1c5: {  	s1 =	ssub.s32 @!p0 $0x0, s1;
	[sflag:s0] =	ssyncset.done @!p0 $0x0  }
0x1c6: {  	[sflag:s0] =	ssyncadd.s32 @!p0 s1  }
0x1c7: {  	[bflag:$0x3] =	sbarrier.arrive $0xFFFF  }
0x1c8: {  	_ =	shalt  }

</sc_bundles>
